<compile_context>
chip_gen: v7x
topology: tpu7x:2x2x1
jax: 0.10.2.dev20260603
libtpu: 0.0.44.dev20260713+nightly
codegen_flags: <defaults>
</compile_context>

<pallas_src>
import functools

import jax
import jax.numpy as jnp
from jax import lax
from jax.experimental import pallas as pl
from jax.experimental.pallas import tpu as pltpu
from jax.experimental.pallas import tpu_sc as plsc

N_NODES = 50000
N_EDGES = 1600000
NP = 51200
D = 8
NC = 2
NS = 16
NW = NC * NS
CH = 2000

_sc_mesh = plsc.VectorSubcoreMesh(core_axis_name="c", subcore_axis_name="s")
_sc_params = pltpu.CompilerParams(use_tc_tiling_on_sc=False)


_M2 = 2 * N_EDGES
_GPW = _M2 // NW
_GIT = _GPW // CH


@functools.partial(
    pl.kernel,
    out_type=jax.ShapeDtypeStruct((_M2, D), jnp.float32),
    mesh=_sc_mesh,
    compiler_params=_sc_params,
    scratch_types=[
        pltpu.VMEM((CH,), jnp.int32),
        pltpu.VMEM((CH, D), jnp.float32),
        pltpu.SemaphoreType.DMA,
    ],
)
def _sc_gather(tab, idx, out, idx_v, rows_v, sem):
    c = lax.axis_index("c")
    s = lax.axis_index("s")
    wid = s * NC + c
    base = wid * _GPW

    def body(j, carry):
        off = base + j * CH
        pltpu.sync_copy(idx.at[pl.ds(off, CH)], idx_v)
        pltpu.async_copy(tab.at[idx_v], rows_v, sem).wait()
        pltpu.sync_copy(rows_v, out.at[pl.ds(off, CH)])
        return carry

    lax.fori_loop(0, _GIT, body, 0)


_SPW = N_EDGES // NW
_SIT = _SPW // CH
_RPT = NP // NS


@functools.partial(
    pl.kernel,
    out_type=jax.ShapeDtypeStruct((NC, NP, D), jnp.float32),
    mesh=_sc_mesh,
    compiler_params=_sc_params,
    scratch_types=[
        pltpu.VMEM((CH,), jnp.int32),
        pltpu.VMEM((CH, D), jnp.float32),
        pltpu.VMEM_SHARED((NP, D), jnp.float32),
        pltpu.SemaphoreType.DMA,
    ],
)
def _sc_scatter(msgs, dst, zeros, out, idx_v, rows_v, acc, sem):
    c = lax.axis_index("c")
    s = lax.axis_index("s")
    pltpu.sync_copy(zeros.at[pl.ds(s * _RPT, _RPT)], acc.at[pl.ds(s * _RPT, _RPT)])
    plsc.subcore_barrier()

    wid = s * NC + c
    base = wid * _SPW

    def body(j, carry):
        off = base + j * CH
        pltpu.sync_copy(dst.at[pl.ds(off, CH)], idx_v)
        pltpu.sync_copy(msgs.at[pl.ds(off, CH)], rows_v)
        pltpu.sync_copy(rows_v, acc.at[idx_v], add=True)
        return carry

    lax.fori_loop(0, _SIT, body, 0)
    plsc.subcore_barrier()
    pltpu.sync_copy(acc.at[pl.ds(s * _RPT, _RPT)], out.at[c, pl.ds(s * _RPT, _RPT)])


_RE = 8000


def _edge_body(g_ref, e_ref, wg_ref, we_ref, b1_ref, w2_ref, b2_ref, out_ref):
    h = jnp.dot(g_ref[...], wg_ref[...], preferred_element_type=jnp.float32)
    h = h + jnp.dot(e_ref[...], we_ref[...], preferred_element_type=jnp.float32)
    h = jnp.maximum(h + b1_ref[...], 0.0)
    out_ref[...] = (
        jnp.dot(h, w2_ref[...], preferred_element_type=jnp.float32) + b2_ref[...]
    )


def _edge_mlp(g16, E, wg, we, b1, w2, b2):
    grid = (N_EDGES // _RE,)
    return pl.pallas_call(
        _edge_body,
        grid=grid,
        in_specs=[
            pl.BlockSpec((_RE, 2 * D), lambda i: (i, 0)),
            pl.BlockSpec((_RE, 6), lambda i: (i, 0)),
            pl.BlockSpec((2 * D, 64), lambda i: (0, 0)),
            pl.BlockSpec((6, 64), lambda i: (0, 0)),
            pl.BlockSpec((1, 64), lambda i: (0, 0)),
            pl.BlockSpec((64, D), lambda i: (0, 0)),
            pl.BlockSpec((1, D), lambda i: (0, 0)),
        ],
        out_specs=pl.BlockSpec((_RE, D), lambda i: (i, 0)),
        out_shape=jax.ShapeDtypeStruct((N_EDGES, D), jnp.float32),
    )(g16, E, wg, we, b1, w2, b2)


_RV = NP // 16


def _vertex_body(vp_ref, agg_ref, w1a_ref, w1b_ref, b1_ref, w2_ref, b2_ref,
                 out_ref, sum_ref):
    i = pl.program_id(0)
    x = vp_ref[...]
    a = agg_ref[0] + agg_ref[1]
    h = jnp.dot(x, w1a_ref[...], preferred_element_type=jnp.float32)
    h = h + jnp.dot(a, w1b_ref[...], preferred_element_type=jnp.float32)
    h = jnp.maximum(h + b1_ref[...], 0.0)
    vn = jnp.dot(h, w2_ref[...], preferred_element_type=jnp.float32) + b2_ref[...]
    row = i * _RV + lax.broadcasted_iota(jnp.int32, (_RV, D), 0)
    vn = jnp.where(row < N_NODES, vn, 0.0)
    out_ref[...] = vn

    @pl.when(i == 0)
    def _():
        sum_ref[...] = jnp.zeros_like(sum_ref)

    sum_ref[...] += jnp.sum(vn, axis=0, keepdims=True)


def _vertex_mlp(vp, agg2, w1a, w1b, b1, w2, b2):
    grid = (NP // _RV,)
    return pl.pallas_call(
        _vertex_body,
        grid=grid,
        in_specs=[
            pl.BlockSpec((_RV, D), lambda i: (i, 0)),
            pl.BlockSpec((NC, _RV, D), lambda i: (0, i, 0)),
            pl.BlockSpec((D, 32), lambda i: (0, 0)),
            pl.BlockSpec((D, 32), lambda i: (0, 0)),
            pl.BlockSpec((1, 32), lambda i: (0, 0)),
            pl.BlockSpec((32, D), lambda i: (0, 0)),
            pl.BlockSpec((1, D), lambda i: (0, 0)),
        ],
        out_specs=[
            pl.BlockSpec((_RV, D), lambda i: (i, 0)),
            pl.BlockSpec((1, D), lambda i: (0, 0)),
        ],
        out_shape=[
            jax.ShapeDtypeStruct((NP, D), jnp.float32),
            jax.ShapeDtypeStruct((1, D), jnp.float32),
        ],
    )(vp, agg2, w1a, w1b, b1, w2, b2)


def _global_body(sums_ref, w1_ref, b1_ref, w2_ref, b2_ref, out_ref):
    m = jnp.sum(sums_ref[...], axis=0, keepdims=True) * (1.0 / N_NODES)
    h = jnp.dot(m, w1_ref[...], preferred_element_type=jnp.float32)
    h = jnp.maximum(h + b1_ref[...], 0.0)
    u = jnp.dot(h, w2_ref[...], preferred_element_type=jnp.float32) + b2_ref[...]
    out_ref[...] = jax.nn.sigmoid(u)


def _global_mlp(sums, w1, b1, w2, b2):
    return pl.pallas_call(
        _global_body,
        out_shape=jax.ShapeDtypeStruct((1, 1), jnp.float32),
    )(sums, w1, b1, w2, b2)


def kernel(V, E, edge_index, ew1, eb1, ew2, eb2, vw1, vb1, vw2, vb2,
           ow1, ob1, ow2, ob2):
    f32 = jnp.float32
    wg = jnp.zeros((2 * D, 64), f32)
    wg = wg.at[0:6].set(ew1[0:6]).at[D:D + 6].set(ew1[6:12])
    we = ew1[12:18]
    eb1r = eb1.reshape(1, 64)
    w2p = jnp.zeros((64, D), f32).at[:, 0:6].set(ew2)
    eb2p = jnp.zeros((1, D), f32).at[0, 0:6].set(eb2)

    w1a = jnp.zeros((D, 32), f32).at[0:6].set(vw1[0:6])
    w1b = jnp.zeros((D, 32), f32).at[0:6].set(vw1[6:12])
    vb1r = vb1.reshape(1, 32)
    vw2p = jnp.zeros((32, D), f32).at[:, 0:6].set(vw2)
    vb2p = jnp.zeros((1, D), f32).at[0, 0:6].set(vb2)

    ow1p = jnp.zeros((D, 32), f32).at[0:6].set(ow1)
    ob1r = ob1.reshape(1, 32)
    ob2r = ob2.reshape(1, 1)

    vp = jnp.zeros((NP, D), f32).at[0:N_NODES, 0:6].set(V)
    idx2 = edge_index.astype(jnp.int32).T.reshape(_M2)
    dst = edge_index[1].astype(jnp.int32)
    zeros = jnp.zeros((NP, D), f32)

    sums = None
    for _ in range(3):
        g = _sc_gather(vp, idx2)
        g16 = g.reshape(N_EDGES, 2 * D)
        msgs = _edge_mlp(g16, E, wg, we, eb1r, w2p, eb2p)
        agg2 = _sc_scatter(msgs, dst, zeros)
        vp, sums = _vertex_mlp(vp, agg2, w1a, w1b, vb1r, vw2p, vb2p)

    return _global_mlp(sums, ow1p, ob1r, ow2, ob2r)

# --- scband reference (transcript-rebuilt; emitter-appended) ---
"""Pipeline reference for scband-multi-mnnp-moa-55027120996422 (READ-ONLY COPY).

The authoritative reference and input builder live on the scoring server;
editing this copy changes nothing except your own understanding.
"""

import jax, jax.numpy as jnp
import numpy as np

N_NODES = 50000
N_EDGES = 1600000
V_ATTR = 6
E_ATTR = 6


def _glorot(k, shape):
    lim = float(np.sqrt(6.0 / (shape[0] + shape[1])))
    return jax.random.uniform(k, shape, minval=-lim, maxval=lim, dtype=jnp.float32)


def _mlp(x, w1, b1, w2, b2):
    h = jax.nn.relu(x @ w1 + b1)
    return h @ w2 + b2


def _mpnn(V, E, src, dst, p):
    # edge update: phi_e(concat(V_src, V_dst, E))
    e_in = jnp.concatenate([V[src], V[dst], E], axis=1)
    E_new = _mlp(e_in, p['ew1'], p['eb1'], p['ew2'], p['eb2'])
    # aggregate messages to destination nodes (scatter-add)
    agg = jax.ops.segment_sum(E_new, dst, num_segments=V.shape[0])
    # vertex update: phi_v(concat(V, agg))
    v_in = jnp.concatenate([V, agg], axis=1)
    V_new = _mlp(v_in, p['vw1'], p['vb1'], p['vw2'], p['vb2'])
    # global/output update: phi_u(mean over nodes)
    u = _mlp(jnp.mean(V_new, axis=0, keepdims=True), p['ow1'], p['ob1'], p['ow2'], p['ob2'])
    return E_new, V_new, u


def setup_inputs(seed: int = 0):
    key = jax.random.key(seed)
    ks = jax.random.split(key, 10)
    V = jax.random.normal(ks[0], (N_NODES, V_ATTR), dtype=jnp.float32)
    E = jax.random.normal(ks[1], (N_EDGES, E_ATTR), dtype=jnp.float32)
    edge_index = jax.random.randint(ks[2], (2, N_EDGES), 0, N_NODES)
    # shared MLP weights (same module instances reused in l1/l2/l3)
    ew1 = _glorot(ks[3], (V_ATTR + V_ATTR + E_ATTR, 64)); eb1 = jnp.zeros((64,), jnp.float32)
    ew2 = _glorot(ks[4], (64, E_ATTR)); eb2 = jnp.zeros((E_ATTR,), jnp.float32)
    vw1 = _glorot(ks[5], (V_ATTR + E_ATTR, 32)); vb1 = jnp.zeros((32,), jnp.float32)
    vw2 = _glorot(ks[6], (32, V_ATTR)); vb2 = jnp.zeros((V_ATTR,), jnp.float32)
    ow1 = _glorot(ks[7], (V_ATTR, 32)); ob1 = jnp.zeros((32,), jnp.float32)
    ow2 = _glorot(ks[8], (32, 1)); ob2 = jnp.zeros((1,), jnp.float32)
    return {
        'V': V, 'E': E, 'edge_index': edge_index,
        'ew1': ew1, 'eb1': eb1, 'ew2': ew2, 'eb2': eb2,
        'vw1': vw1, 'vb1': vb1, 'vw2': vw2, 'vb2': vb2,
        'ow1': ow1, 'ob1': ob1, 'ow2': ow2, 'ob2': ob2,
    }


def reference(V, E, edge_index, ew1, eb1, ew2, eb2, vw1, vb1, vw2, vb2, ow1, ob1, ow2, ob2):
    src = edge_index[0]
    dst = edge_index[1]
    p = {'ew1': ew1, 'eb1': eb1, 'ew2': ew2, 'eb2': eb2,
         'vw1': vw1, 'vb1': vb1, 'vw2': vw2, 'vb2': vb2,
         'ow1': ow1, 'ob1': ob1, 'ow2': ow2, 'ob2': ob2}
    _, V1, _ = _mpnn(V, E, src, dst, p)
    _, V2, _ = _mpnn(V1, E, src, dst, p)
    _, V3, u = _mpnn(V2, E, src, dst, p)
    return jax.nn.sigmoid(u)

if __name__ == "__main__":
    import jax
    _d = setup_inputs()
    print(jax.jit(kernel)(*tuple(_d.values())))

</pallas_src>

<mosaic_0001>
#map = affine_map<(d0, d1) -> (0, 0)>
#map1 = affine_map<(d0, d1) -> (0)>
module attributes {stable_mosaic.version = 14 : i64} {
  func.func @_sc_gather(%arg0: i32, %arg1: i32, %arg2: memref<51200x8xf32, #tpu.memory_space<hbm>>, %arg3: memref<3200000xi32, #tpu.memory_space<hbm>>, %arg4: memref<3200000x8xf32, #tpu.memory_space<hbm>>, %arg5: memref<2000xi32, #tpu.memory_space<vmem>>, %arg6: memref<2000x8xf32, #tpu.memory_space<vmem>>, %arg7: memref<!tpu.dma_semaphore, #tpu.memory_space<semaphore_mem>>) attributes {dimension_semantics = [#tpu.dimension_semantics<core_parallel>, #tpu.dimension_semantics<subcore_parallel>], iteration_bounds = array<i64: 2, 16>, scalar_prefetch = 0 : i64, scratch_operands = 3 : i64, tpu.core_type = #tpu.core_type<sc_vector_subcore>, window_params = [{transform_indices = #map}, {transform_indices = #map1}, {transform_indices = #map}]} {
    %mul3A = arith.constant 2 : i32
    %mul3A_0 = arith.muli %arg1, %mul3A : i32
    %add3A = arith.addi %mul3A_0, %arg0 : i32
    %mul3A_1 = arith.constant 100000 : i32
    %mul3A_2 = arith.muli %add3A, %mul3A_1 : i32
    %scan3A = arith.constant 0 : i32
    %scan3A_3 = arith.constant 0 : i32
    %scan3A_4 = arith.constant 50 : i32
    %scan3A_5 = arith.addi %scan3A_3, %scan3A_4 : i32
    %scan3A_6 = arith.constant 1 : i32
    scf.for %scan3A_8 = %scan3A_3 to %scan3A_5 step %scan3A_6  : i32 {
      %mul3A_9 = arith.constant 2000 : i32
      %mul3A_10 = arith.muli %scan3A_8, %mul3A_9 : i32
      %add3A_11 = arith.addi %mul3A_2, %mul3A_10 : i32
      "tpu.region"() ({
        %run_scoped3A = tpu.sem_alloc : memref<!tpu.dma_semaphore, #tpu.memory_space<semaphore_mem>>
        %dma_start3A_16 = tpu.memref_slice %arg3[%add3A_11] : memref<3200000xi32, #tpu.memory_space<hbm>> -> memref<2000xi32, #tpu.memory_space<hbm>>
        %dma_start3A_17 = tpu.memref_slice %arg3[%add3A_11] : memref<3200000xi32, #tpu.memory_space<hbm>> -> memref<2000xi32, #tpu.memory_space<hbm>>
        tpu.enqueue_dma source(%dma_start3A_17 : memref<2000xi32, #tpu.memory_space<hbm>>) target(%arg5 : memref<2000xi32, #tpu.memory_space<vmem>>) target_semaphore(%run_scoped3A : memref<!tpu.dma_semaphore, #tpu.memory_space<semaphore_mem>>)
        %dma_wait3A_18 = tpu.memref_slice %arg3[%add3A_11] : memref<3200000xi32, #tpu.memory_space<hbm>> -> memref<2000xi32, #tpu.memory_space<hbm>>
        %dma_wait3A_19 = tpu.memref_slice %arg3[%add3A_11] : memref<3200000xi32, #tpu.memory_space<hbm>> -> memref<2000xi32, #tpu.memory_space<hbm>>
        tpu.wait_dma2 semaphore(%run_scoped3A : memref<!tpu.dma_semaphore, #tpu.memory_space<semaphore_mem>>) src(%dma_wait3A_19 : memref<2000xi32, #tpu.memory_space<hbm>>) dst(%arg5 : memref<2000xi32, #tpu.memory_space<vmem>>)
        tpu.yield
      }) : () -> ()
      %dma_start3A = arith.constant 0 : i32
      %dma_start3A_12 = arith.constant 0 : i32
      %dma_start3A_13 = tpu.memref_slice %arg2[%dma_start3A, %dma_start3A_12] : memref<51200x8xf32, #tpu.memory_space<hbm>> -> memref<51200x8xf32, #tpu.memory_space<hbm>>
      tpu.enqueue_indirect_dma source(%dma_start3A_13 : memref<51200x8xf32, #tpu.memory_space<hbm>>) target(%arg6 : memref<2000x8xf32, #tpu.memory_space<vmem>>) offsets(%arg5 : memref<2000xi32, #tpu.memory_space<vmem>>) semaphore(%arg7 : memref<!tpu.dma_semaphore, #tpu.memory_space<semaphore_mem>>)
      %dma_wait3A = arith.constant 0 : i32
      %dma_wait3A_14 = arith.constant 0 : i32
      %dma_wait3A_15 = tpu.memref_slice %arg2[%dma_wait3A, %dma_wait3A_14] : memref<51200x8xf32, #tpu.memory_space<hbm>> -> memref<51200x8xf32, #tpu.memory_space<hbm>>
      tpu.wait_indirect_dma semaphore(%arg7 : memref<!tpu.dma_semaphore, #tpu.memory_space<semaphore_mem>>) src(%dma_wait3A_15 : memref<51200x8xf32, #tpu.memory_space<hbm>>) dst(%arg6 : memref<2000x8xf32, #tpu.memory_space<vmem>>)
      "tpu.region"() ({
        %run_scoped3A = tpu.sem_alloc : memref<!tpu.dma_semaphore, #tpu.memory_space<semaphore_mem>>
        %dma_start3A_16 = arith.constant 0 : i32
        %dma_start3A_17 = tpu.memref_slice %arg4[%add3A_11, %dma_start3A_16] : memref<3200000x8xf32, #tpu.memory_space<hbm>> -> memref<2000x8xf32, #tpu.memory_space<hbm>>
        %dma_start3A_18 = arith.constant 0 : i32
        %dma_start3A_19 = tpu.memref_slice %arg4[%add3A_11, %dma_start3A_18] : memref<3200000x8xf32, #tpu.memory_space<hbm>> -> memref<2000x8xf32, #tpu.memory_space<hbm>>
        tpu.enqueue_dma source(%arg6 : memref<2000x8xf32, #tpu.memory_space<vmem>>) target(%dma_start3A_19 : memref<2000x8xf32, #tpu.memory_space<hbm>>) target_semaphore(%run_scoped3A : memref<!tpu.dma_semaphore, #tpu.memory_space<semaphore_mem>>)
        %dma_wait3A_20 = arith.constant 0 : i32
        %dma_wait3A_21 = tpu.memref_slice %arg4[%add3A_11, %dma_wait3A_20] : memref<3200000x8xf32, #tpu.memory_space<hbm>> -> memref<2000x8xf32, #tpu.memory_space<hbm>>
        %dma_wait3A_22 = arith.constant 0 : i32
        %dma_wait3A_23 = tpu.memref_slice %arg4[%add3A_11, %dma_wait3A_22] : memref<3200000x8xf32, #tpu.memory_space<hbm>> -> memref<2000x8xf32, #tpu.memory_space<hbm>>
        tpu.wait_dma2 semaphore(%run_scoped3A : memref<!tpu.dma_semaphore, #tpu.memory_space<semaphore_mem>>) src(%arg6 : memref<2000x8xf32, #tpu.memory_space<vmem>>) dst(%dma_wait3A_23 : memref<2000x8xf32, #tpu.memory_space<hbm>>)
        tpu.yield
      }) : () -> ()
    }
    %scan3A_7 = arith.constant 50 : i32
    return
  }
}

#map = affine_map<(d0, d1) -> (0, 0)>
#map1 = affine_map<(d0, d1) -> (0)>
#map2 = affine_map<(d0, d1) -> (0, 0, 0)>
module attributes {stable_mosaic.version = 14 : i64} {
  func.func @_sc_scatter(%arg0: i32, %arg1: i32, %arg2: memref<1600000x8xf32, #tpu.memory_space<hbm>>, %arg3: memref<1600000xi32, #tpu.memory_space<hbm>>, %arg4: memref<51200x8xf32, #tpu.memory_space<hbm>>, %arg5: memref<2x51200x8xf32, #tpu.memory_space<hbm>>, %arg6: memref<2000xi32, #tpu.memory_space<vmem>>, %arg7: memref<2000x8xf32, #tpu.memory_space<vmem>>, %arg8: memref<51200x8xf32, #tpu.memory_space<vmem_shared>>, %arg9: memref<!tpu.dma_semaphore, #tpu.memory_space<semaphore_mem>>) attributes {dimension_semantics = [#tpu.dimension_semantics<core_parallel>, #tpu.dimension_semantics<subcore_parallel>], iteration_bounds = array<i64: 2, 16>, scalar_prefetch = 0 : i64, scratch_operands = 4 : i64, tpu.core_type = #tpu.core_type<sc_vector_subcore>, window_params = [{transform_indices = #map}, {transform_indices = #map1}, {transform_indices = #map}, {transform_indices = #map2}]} {
    %mul3A = arith.constant 3200 : i32
    %mul3A_0 = arith.muli %arg1, %mul3A : i32
    %mul3A_1 = arith.constant 3200 : i32
    %mul3A_2 = arith.muli %arg1, %mul3A_1 : i32
    "tpu.region"() ({
      %run_scoped3A = tpu.sem_alloc : memref<!tpu.dma_semaphore, #tpu.memory_space<semaphore_mem>>
      %dma_start3A = arith.constant 0 : i32
      %dma_start3A_17 = tpu.memref_slice %arg8[%mul3A_2, %dma_start3A] : memref<51200x8xf32, #tpu.memory_space<vmem_shared>> -> memref<3200x8xf32, #tpu.memory_space<vmem_shared>>
      %dma_start3A_18 = arith.constant 0 : i32
      %dma_start3A_19 = tpu.memref_slice %arg4[%mul3A_0, %dma_start3A_18] : memref<51200x8xf32, #tpu.memory_space<hbm>> -> memref<3200x8xf32, #tpu.memory_space<hbm>>
      tpu.enqueue_dma source(%dma_start3A_19 : memref<3200x8xf32, #tpu.memory_space<hbm>>) target(%dma_start3A_17 : memref<3200x8xf32, #tpu.memory_space<vmem_shared>>) target_semaphore(%run_scoped3A : memref<!tpu.dma_semaphore, #tpu.memory_space<semaphore_mem>>)
      %dma_wait3A = arith.constant 0 : i32
      %dma_wait3A_20 = tpu.memref_slice %arg8[%mul3A_2, %dma_wait3A] : memref<51200x8xf32, #tpu.memory_space<vmem_shared>> -> memref<3200x8xf32, #tpu.memory_space<vmem_shared>>
      %dma_wait3A_21 = arith.constant 0 : i32
      %dma_wait3A_22 = tpu.memref_slice %arg4[%mul3A_0, %dma_wait3A_21] : memref<51200x8xf32, #tpu.memory_space<hbm>> -> memref<3200x8xf32, #tpu.memory_space<hbm>>
      tpu.wait_dma2 semaphore(%run_scoped3A : memref<!tpu.dma_semaphore, #tpu.memory_space<semaphore_mem>>) src(%dma_wait3A_22 : memref<3200x8xf32, #tpu.memory_space<hbm>>) dst(%dma_wait3A_20 : memref<3200x8xf32, #tpu.memory_space<vmem_shared>>)
      tpu.yield
    }) : () -> ()
    %barrier3A = arith.constant 0 : index
    tpu.barrier barrier_id(%barrier3A)
    %mul3A_3 = arith.constant 2 : i32
    %mul3A_4 = arith.muli %arg1, %mul3A_3 : i32
    %add3A = arith.addi %mul3A_4, %arg0 : i32
    %mul3A_5 = arith.constant 50000 : i32
    %mul3A_6 = arith.muli %add3A, %mul3A_5 : i32
    %scan3A = arith.constant 0 : i32
    %scan3A_7 = arith.constant 0 : i32
    %scan3A_8 = arith.constant 25 : i32
    %scan3A_9 = arith.addi %scan3A_7, %scan3A_8 : i32
    %scan3A_10 = arith.constant 1 : i32
    scf.for %scan3A_17 = %scan3A_7 to %scan3A_9 step %scan3A_10  : i32 {
      %mul3A_18 = arith.constant 2000 : i32
      %mul3A_19 = arith.muli %scan3A_17, %mul3A_18 : i32
      %add3A_20 = arith.addi %mul3A_6, %mul3A_19 : i32
      "tpu.region"() ({
        %run_scoped3A = tpu.sem_alloc : memref<!tpu.dma_semaphore, #tpu.memory_space<semaphore_mem>>
        %dma_start3A = tpu.memref_slice %arg3[%add3A_20] : memref<1600000xi32, #tpu.memory_space<hbm>> -> memref<2000xi32, #tpu.memory_space<hbm>>
        %dma_start3A_21 = tpu.memref_slice %arg3[%add3A_20] : memref<1600000xi32, #tpu.memory_space<hbm>> -> memref<2000xi32, #tpu.memory_space<hbm>>
        tpu.enqueue_dma source(%dma_start3A_21 : memref<2000xi32, #tpu.memory_space<hbm>>) target(%arg6 : memref<2000xi32, #tpu.memory_space<vmem>>) target_semaphore(%run_scoped3A : memref<!tpu.dma_semaphore, #tpu.memory_space<semaphore_mem>>)
        %dma_wait3A = tpu.memref_slice %arg3[%add3A_20] : memref<1600000xi32, #tpu.memory_space<hbm>> -> memref<2000xi32, #tpu.memory_space<hbm>>
        %dma_wait3A_22 = tpu.memref_slice %arg3[%add3A_20] : memref<1600000xi32, #tpu.memory_space<hbm>> -> memref<2000xi32, #tpu.memory_space<hbm>>
        tpu.wait_dma2 semaphore(%run_scoped3A : memref<!tpu.dma_semaphore, #tpu.memory_space<semaphore_mem>>) src(%dma_wait3A_22 : memref<2000xi32, #tpu.memory_space<hbm>>) dst(%arg6 : memref<2000xi32, #tpu.memory_space<vmem>>)
        tpu.yield
      }) : () -> ()
      "tpu.region"() ({
        %run_scoped3A = tpu.sem_alloc : memref<!tpu.dma_semaphore, #tpu.memory_space<semaphore_mem>>
        %dma_start3A = arith.constant 0 : i32
        %dma_start3A_21 = tpu.memref_slice %arg2[%add3A_20, %dma_start3A] : memref<1600000x8xf32, #tpu.memory_space<hbm>> -> memref<2000x8xf32, #tpu.memory_space<hbm>>
        %dma_start3A_22 = arith.constant 0 : i32
        %dma_start3A_23 = tpu.memref_slice %arg2[%add3A_20, %dma_start3A_22] : memref<1600000x8xf32, #tpu.memory_space<hbm>> -> memref<2000x8xf32, #tpu.memory_space<hbm>>
        tpu.enqueue_dma source(%dma_start3A_23 : memref<2000x8xf32, #tpu.memory_space<hbm>>) target(%arg7 : memref<2000x8xf32, #tpu.memory_space<vmem>>) target_semaphore(%run_scoped3A : memref<!tpu.dma_semaphore, #tpu.memory_space<semaphore_mem>>)
        %dma_wait3A = arith.constant 0 : i32
        %dma_wait3A_24 = tpu.memref_slice %arg2[%add3A_20, %dma_wait3A] : memref<1600000x8xf32, #tpu.memory_space<hbm>> -> memref<2000x8xf32, #tpu.memory_space<hbm>>
        %dma_wait3A_25 = arith.constant 0 : i32
        %dma_wait3A_26 = tpu.memref_slice %arg2[%add3A_20, %dma_wait3A_25] : memref<1600000x8xf32, #tpu.memory_space<hbm>> -> memref<2000x8xf32, #tpu.memory_space<hbm>>
        tpu.wait_dma2 semaphore(%run_scoped3A : memref<!tpu.dma_semaphore, #tpu.memory_space<semaphore_mem>>) src(%dma_wait3A_26 : memref<2000x8xf32, #tpu.memory_space<hbm>>) dst(%arg7 : memref<2000x8xf32, #tpu.memory_space<vmem>>)
        tpu.yield
      }) : () -> ()
      "tpu.region"() ({
        %run_scoped3A = tpu.sem_alloc : memref<!tpu.dma_semaphore, #tpu.memory_space<semaphore_mem>>
        %dma_start3A = arith.constant 0 : i32
        %dma_start3A_21 = arith.constant 0 : i32
        %dma_start3A_22 = tpu.memref_slice %arg8[%dma_start3A, %dma_start3A_21] : memref<51200x8xf32, #tpu.memory_space<vmem_shared>> -> memref<51200x8xf32, #tpu.memory_space<vmem_shared>>
        tpu.enqueue_indirect_dma source(%arg7 : memref<2000x8xf32, #tpu.memory_space<vmem>>) target(%dma_start3A_22 : memref<51200x8xf32, #tpu.memory_space<vmem_shared>>) offsets(%arg6 : memref<2000xi32, #tpu.memory_space<vmem>>) semaphore(%run_scoped3A : memref<!tpu.dma_semaphore, #tpu.memory_space<semaphore_mem>>) {add = true}
        %dma_wait3A = arith.constant 0 : i32
        %dma_wait3A_23 = arith.constant 0 : i32
        %dma_wait3A_24 = tpu.memref_slice %arg8[%dma_wait3A, %dma_wait3A_23] : memref<51200x8xf32, #tpu.memory_space<vmem_shared>> -> memref<51200x8xf32, #tpu.memory_space<vmem_shared>>
        tpu.wait_indirect_dma semaphore(%run_scoped3A : memref<!tpu.dma_semaphore, #tpu.memory_space<semaphore_mem>>) src(%arg7 : memref<2000x8xf32, #tpu.memory_space<vmem>>) dst(%dma_wait3A_24 : memref<51200x8xf32, #tpu.memory_space<vmem_shared>>)
        tpu.yield
      }) : () -> ()
    }
    %scan3A_11 = arith.constant 25 : i32
    %barrier3A_12 = arith.constant 0 : index
    tpu.barrier barrier_id(%barrier3A_12)
    %mul3A_13 = arith.constant 3200 : i32
    %mul3A_14 = arith.muli %arg1, %mul3A_13 : i32
    %mul3A_15 = arith.constant 3200 : i32
    %mul3A_16 = arith.muli %arg1, %mul3A_15 : i32
    "tpu.region"() ({
      %run_scoped3A = tpu.sem_alloc : memref<!tpu.dma_semaphore, #tpu.memory_space<semaphore_mem>>
      %dma_start3A = arith.constant 0 : i32
      %dma_start3A_17 = tpu.memref_slice %arg5[%arg0, %mul3A_16, %dma_start3A] : memref<2x51200x8xf32, #tpu.memory_space<hbm>> -> memref<1x3200x8xf32, #tpu.memory_space<hbm>>
      %dma_start3A_18 = tpu.memref_squeeze %dma_start3A_17 : memref<1x3200x8xf32, #tpu.memory_space<hbm>> -> memref<3200x8xf32, #tpu.memory_space<hbm>>
      %dma_start3A_19 = arith.constant 0 : i32
      %dma_start3A_20 = tpu.memref_slice %arg8[%mul3A_14, %dma_start3A_19] : memref<51200x8xf32, #tpu.memory_space<vmem_shared>> -> memref<3200x8xf32, #tpu.memory_space<vmem_shared>>
      tpu.enqueue_dma source(%dma_start3A_20 : memref<3200x8xf32, #tpu.memory_space<vmem_shared>>) target(%dma_start3A_18 : memref<3200x8xf32, #tpu.memory_space<hbm>>) target_semaphore(%run_scoped3A : memref<!tpu.dma_semaphore, #tpu.memory_space<semaphore_mem>>)
      %dma_wait3A = arith.constant 0 : i32
      %dma_wait3A_21 = tpu.memref_slice %arg5[%arg0, %mul3A_16, %dma_wait3A] : memref<2x51200x8xf32, #tpu.memory_space<hbm>> -> memref<1x3200x8xf32, #tpu.memory_space<hbm>>
      %dma_wait3A_22 = tpu.memref_squeeze %dma_wait3A_21 : memref<1x3200x8xf32, #tpu.memory_space<hbm>> -> memref<3200x8xf32, #tpu.memory_space<hbm>>
      %dma_wait3A_23 = arith.constant 0 : i32
      %dma_wait3A_24 = tpu.memref_slice %arg8[%mul3A_14, %dma_wait3A_23] : memref<51200x8xf32, #tpu.memory_space<vmem_shared>> -> memref<3200x8xf32, #tpu.memory_space<vmem_shared>>
      tpu.wait_dma2 semaphore(%run_scoped3A : memref<!tpu.dma_semaphore, #tpu.memory_space<semaphore_mem>>) src(%dma_wait3A_24 : memref<3200x8xf32, #tpu.memory_space<vmem_shared>>) dst(%dma_wait3A_22 : memref<3200x8xf32, #tpu.memory_space<hbm>>)
      tpu.yield
    }) : () -> ()
    return
  }
}

#map = affine_map<(d0, d1) -> (0, 0)>
#map1 = affine_map<(d0, d1) -> (0)>
#map2 = affine_map<(d0, d1) -> (0, 0, 0)>
module attributes {stable_mosaic.version = 14 : i64} {
  func.func @_sc_scatter(%arg0: i32, %arg1: i32, %arg2: memref<1600000x8xf32, #tpu.memory_space<hbm>>, %arg3: memref<1600000xi32, #tpu.memory_space<hbm>>, %arg4: memref<51200x8xf32, #tpu.memory_space<hbm>>, %arg5: memref<2x51200x8xf32, #tpu.memory_space<hbm>>, %arg6: memref<2000xi32, #tpu.memory_space<vmem>>, %arg7: memref<2000x8xf32, #tpu.memory_space<vmem>>, %arg8: memref<51200x8xf32, #tpu.memory_space<vmem_shared>>, %arg9: memref<!tpu.dma_semaphore, #tpu.memory_space<semaphore_mem>>) attributes {dimension_semantics = [#tpu.dimension_semantics<core_parallel>, #tpu.dimension_semantics<subcore_parallel>], iteration_bounds = array<i64: 2, 16>, scalar_prefetch = 0 : i64, scratch_operands = 4 : i64, tpu.core_type = #tpu.core_type<sc_vector_subcore>, window_params = [{transform_indices = #map}, {transform_indices = #map1}, {transform_indices = #map}, {transform_indices = #map2}]} {
    %mul3A = arith.constant 3200 : i32
    %mul3A_0 = arith.muli %arg1, %mul3A : i32
    %mul3A_1 = arith.constant 3200 : i32
    %mul3A_2 = arith.muli %arg1, %mul3A_1 : i32
    "tpu.region"() ({
      %run_scoped3A = tpu.sem_alloc : memref<!tpu.dma_semaphore, #tpu.memory_space<semaphore_mem>>
      %dma_start3A = arith.constant 0 : i32
      %dma_start3A_17 = tpu.memref_slice %arg8[%mul3A_2, %dma_start3A] : memref<51200x8xf32, #tpu.memory_space<vmem_shared>> -> memref<3200x8xf32, #tpu.memory_space<vmem_shared>>
      %dma_start3A_18 = arith.constant 0 : i32
      %dma_start3A_19 = tpu.memref_slice %arg4[%mul3A_0, %dma_start3A_18] : memref<51200x8xf32, #tpu.memory_space<hbm>> -> memref<3200x8xf32, #tpu.memory_space<hbm>>
      tpu.enqueue_dma source(%dma_start3A_19 : memref<3200x8xf32, #tpu.memory_space<hbm>>) target(%dma_start3A_17 : memref<3200x8xf32, #tpu.memory_space<vmem_shared>>) target_semaphore(%run_scoped3A : memref<!tpu.dma_semaphore, #tpu.memory_space<semaphore_mem>>)
      %dma_wait3A = arith.constant 0 : i32
      %dma_wait3A_20 = tpu.memref_slice %arg8[%mul3A_2, %dma_wait3A] : memref<51200x8xf32, #tpu.memory_space<vmem_shared>> -> memref<3200x8xf32, #tpu.memory_space<vmem_shared>>
      %dma_wait3A_21 = arith.constant 0 : i32
      %dma_wait3A_22 = tpu.memref_slice %arg4[%mul3A_0, %dma_wait3A_21] : memref<51200x8xf32, #tpu.memory_space<hbm>> -> memref<3200x8xf32, #tpu.memory_space<hbm>>
      tpu.wait_dma2 semaphore(%run_scoped3A : memref<!tpu.dma_semaphore, #tpu.memory_space<semaphore_mem>>) src(%dma_wait3A_22 : memref<3200x8xf32, #tpu.memory_space<hbm>>) dst(%dma_wait3A_20 : memref<3200x8xf32, #tpu.memory_space<vmem_shared>>)
      tpu.yield
    }) : () -> ()
    %barrier3A = arith.constant 0 : index
    tpu.barrier barrier_id(%barrier3A)
    %mul3A_3 = arith.constant 2 : i32
    %mul3A_4 = arith.muli %arg1, %mul3A_3 : i32
    %add3A = arith.addi %mul3A_4, %arg0 : i32
    %mul3A_5 = arith.constant 50000 : i32
    %mul3A_6 = arith.muli %add3A, %mul3A_5 : i32
    %scan3A = arith.constant 0 : i32
    %scan3A_7 = arith.constant 0 : i32
    %scan3A_8 = arith.constant 25 : i32
    %scan3A_9 = arith.addi %scan3A_7, %scan3A_8 : i32
    %scan3A_10 = arith.constant 1 : i32
    scf.for %scan3A_17 = %scan3A_7 to %scan3A_9 step %scan3A_10  : i32 {
      %mul3A_18 = arith.constant 2000 : i32
      %mul3A_19 = arith.muli %scan3A_17, %mul3A_18 : i32
      %add3A_20 = arith.addi %mul3A_6, %mul3A_19 : i32
      "tpu.region"() ({
        %run_scoped3A = tpu.sem_alloc : memref<!tpu.dma_semaphore, #tpu.memory_space<semaphore_mem>>
        %dma_start3A = tpu.memref_slice %arg3[%add3A_20] : memref<1600000xi32, #tpu.memory_space<hbm>> -> memref<2000xi32, #tpu.memory_space<hbm>>
        %dma_start3A_21 = tpu.memref_slice %arg3[%add3A_20] : memref<1600000xi32, #tpu.memory_space<hbm>> -> memref<2000xi32, #tpu.memory_space<hbm>>
        tpu.enqueue_dma source(%dma_start3A_21 : memref<2000xi32, #tpu.memory_space<hbm>>) target(%arg6 : memref<2000xi32, #tpu.memory_space<vmem>>) target_semaphore(%run_scoped3A : memref<!tpu.dma_semaphore, #tpu.memory_space<semaphore_mem>>)
        %dma_wait3A = tpu.memref_slice %arg3[%add3A_20] : memref<1600000xi32, #tpu.memory_space<hbm>> -> memref<2000xi32, #tpu.memory_space<hbm>>
        %dma_wait3A_22 = tpu.memref_slice %arg3[%add3A_20] : memref<1600000xi32, #tpu.memory_space<hbm>> -> memref<2000xi32, #tpu.memory_space<hbm>>
        tpu.wait_dma2 semaphore(%run_scoped3A : memref<!tpu.dma_semaphore, #tpu.memory_space<semaphore_mem>>) src(%dma_wait3A_22 : memref<2000xi32, #tpu.memory_space<hbm>>) dst(%arg6 : memref<2000xi32, #tpu.memory_space<vmem>>)
        tpu.yield
      }) : () -> ()
      "tpu.region"() ({
        %run_scoped3A = tpu.sem_alloc : memref<!tpu.dma_semaphore, #tpu.memory_space<semaphore_mem>>
        %dma_start3A = arith.constant 0 : i32
        %dma_start3A_21 = tpu.memref_slice %arg2[%add3A_20, %dma_start3A] : memref<1600000x8xf32, #tpu.memory_space<hbm>> -> memref<2000x8xf32, #tpu.memory_space<hbm>>
        %dma_start3A_22 = arith.constant 0 : i32
        %dma_start3A_23 = tpu.memref_slice %arg2[%add3A_20, %dma_start3A_22] : memref<1600000x8xf32, #tpu.memory_space<hbm>> -> memref<2000x8xf32, #tpu.memory_space<hbm>>
        tpu.enqueue_dma source(%dma_start3A_23 : memref<2000x8xf32, #tpu.memory_space<hbm>>) target(%arg7 : memref<2000x8xf32, #tpu.memory_space<vmem>>) target_semaphore(%run_scoped3A : memref<!tpu.dma_semaphore, #tpu.memory_space<semaphore_mem>>)
        %dma_wait3A = arith.constant 0 : i32
        %dma_wait3A_24 = tpu.memref_slice %arg2[%add3A_20, %dma_wait3A] : memref<1600000x8xf32, #tpu.memory_space<hbm>> -> memref<2000x8xf32, #tpu.memory_space<hbm>>
        %dma_wait3A_25 = arith.constant 0 : i32
        %dma_wait3A_26 = tpu.memref_slice %arg2[%add3A_20, %dma_wait3A_25] : memref<1600000x8xf32, #tpu.memory_space<hbm>> -> memref<2000x8xf32, #tpu.memory_space<hbm>>
        tpu.wait_dma2 semaphore(%run_scoped3A : memref<!tpu.dma_semaphore, #tpu.memory_space<semaphore_mem>>) src(%dma_wait3A_26 : memref<2000x8xf32, #tpu.memory_space<hbm>>) dst(%arg7 : memref<2000x8xf32, #tpu.memory_space<vmem>>)
        tpu.yield
      }) : () -> ()
      "tpu.region"() ({
        %run_scoped3A = tpu.sem_alloc : memref<!tpu.dma_semaphore, #tpu.memory_space<semaphore_mem>>
        %dma_start3A = arith.constant 0 : i32
        %dma_start3A_21 = arith.constant 0 : i32
        %dma_start3A_22 = tpu.memref_slice %arg8[%dma_start3A, %dma_start3A_21] : memref<51200x8xf32, #tpu.memory_space<vmem_shared>> -> memref<51200x8xf32, #tpu.memory_space<vmem_shared>>
        tpu.enqueue_indirect_dma source(%arg7 : memref<2000x8xf32, #tpu.memory_space<vmem>>) target(%dma_start3A_22 : memref<51200x8xf32, #tpu.memory_space<vmem_shared>>) offsets(%arg6 : memref<2000xi32, #tpu.memory_space<vmem>>) semaphore(%run_scoped3A : memref<!tpu.dma_semaphore, #tpu.memory_space<semaphore_mem>>) {add = true}
        %dma_wait3A = arith.constant 0 : i32
        %dma_wait3A_23 = arith.constant 0 : i32
        %dma_wait3A_24 = tpu.memref_slice %arg8[%dma_wait3A, %dma_wait3A_23] : memref<51200x8xf32, #tpu.memory_space<vmem_shared>> -> memref<51200x8xf32, #tpu.memory_space<vmem_shared>>
        tpu.wait_indirect_dma semaphore(%run_scoped3A : memref<!tpu.dma_semaphore, #tpu.memory_space<semaphore_mem>>) src(%arg7 : memref<2000x8xf32, #tpu.memory_space<vmem>>) dst(%dma_wait3A_24 : memref<51200x8xf32, #tpu.memory_space<vmem_shared>>)
        tpu.yield
      }) : () -> ()
    }
    %scan3A_11 = arith.constant 25 : i32
    %barrier3A_12 = arith.constant 0 : index
    tpu.barrier barrier_id(%barrier3A_12)
    %mul3A_13 = arith.constant 3200 : i32
    %mul3A_14 = arith.muli %arg1, %mul3A_13 : i32
    %mul3A_15 = arith.constant 3200 : i32
    %mul3A_16 = arith.muli %arg1, %mul3A_15 : i32
    "tpu.region"() ({
      %run_scoped3A = tpu.sem_alloc : memref<!tpu.dma_semaphore, #tpu.memory_space<semaphore_mem>>
      %dma_start3A = arith.constant 0 : i32
      %dma_start3A_17 = tpu.memref_slice %arg5[%arg0, %mul3A_16, %dma_start3A] : memref<2x51200x8xf32, #tpu.memory_space<hbm>> -> memref<1x3200x8xf32, #tpu.memory_space<hbm>>
      %dma_start3A_18 = tpu.memref_squeeze %dma_start3A_17 : memref<1x3200x8xf32, #tpu.memory_space<hbm>> -> memref<3200x8xf32, #tpu.memory_space<hbm>>
      %dma_start3A_19 = arith.constant 0 : i32
      %dma_start3A_20 = tpu.memref_slice %arg8[%mul3A_14, %dma_start3A_19] : memref<51200x8xf32, #tpu.memory_space<vmem_shared>> -> memref<3200x8xf32, #tpu.memory_space<vmem_shared>>
      tpu.enqueue_dma source(%dma_start3A_20 : memref<3200x8xf32, #tpu.memory_space<vmem_shared>>) target(%dma_start3A_18 : memref<3200x8xf32, #tpu.memory_space<hbm>>) target_semaphore(%run_scoped3A : memref<!tpu.dma_semaphore, #tpu.memory_space<semaphore_mem>>)
      %dma_wait3A = arith.constant 0 : i32
      %dma_wait3A_21 = tpu.memref_slice %arg5[%arg0, %mul3A_16, %dma_wait3A] : memref<2x51200x8xf32, #tpu.memory_space<hbm>> -> memref<1x3200x8xf32, #tpu.memory_space<hbm>>
      %dma_wait3A_22 = tpu.memref_squeeze %dma_wait3A_21 : memref<1x3200x8xf32, #tpu.memory_space<hbm>> -> memref<3200x8xf32, #tpu.memory_space<hbm>>
      %dma_wait3A_23 = arith.constant 0 : i32
      %dma_wait3A_24 = tpu.memref_slice %arg8[%mul3A_14, %dma_wait3A_23] : memref<51200x8xf32, #tpu.memory_space<vmem_shared>> -> memref<3200x8xf32, #tpu.memory_space<vmem_shared>>
      tpu.wait_dma2 semaphore(%run_scoped3A : memref<!tpu.dma_semaphore, #tpu.memory_space<semaphore_mem>>) src(%dma_wait3A_24 : memref<3200x8xf32, #tpu.memory_space<vmem_shared>>) dst(%dma_wait3A_22 : memref<3200x8xf32, #tpu.memory_space<hbm>>)
      tpu.yield
    }) : () -> ()
    return
  }
}

#map = affine_map<(d0, d1) -> (0, 0)>
#map1 = affine_map<(d0, d1) -> (0)>
module attributes {stable_mosaic.version = 14 : i64} {
  func.func @_sc_gather(%arg0: i32, %arg1: i32, %arg2: memref<51200x8xf32, #tpu.memory_space<hbm>>, %arg3: memref<3200000xi32, #tpu.memory_space<hbm>>, %arg4: memref<3200000x8xf32, #tpu.memory_space<hbm>>, %arg5: memref<2000xi32, #tpu.memory_space<vmem>>, %arg6: memref<2000x8xf32, #tpu.memory_space<vmem>>, %arg7: memref<!tpu.dma_semaphore, #tpu.memory_space<semaphore_mem>>) attributes {dimension_semantics = [#tpu.dimension_semantics<core_parallel>, #tpu.dimension_semantics<subcore_parallel>], iteration_bounds = array<i64: 2, 16>, scalar_prefetch = 0 : i64, scratch_operands = 3 : i64, tpu.core_type = #tpu.core_type<sc_vector_subcore>, window_params = [{transform_indices = #map}, {transform_indices = #map1}, {transform_indices = #map}]} {
    %mul3A = arith.constant 2 : i32
    %mul3A_0 = arith.muli %arg1, %mul3A : i32
    %add3A = arith.addi %mul3A_0, %arg0 : i32
    %mul3A_1 = arith.constant 100000 : i32
    %mul3A_2 = arith.muli %add3A, %mul3A_1 : i32
    %scan3A = arith.constant 0 : i32
    %scan3A_3 = arith.constant 0 : i32
    %scan3A_4 = arith.constant 50 : i32
    %scan3A_5 = arith.addi %scan3A_3, %scan3A_4 : i32
    %scan3A_6 = arith.constant 1 : i32
    scf.for %scan3A_8 = %scan3A_3 to %scan3A_5 step %scan3A_6  : i32 {
      %mul3A_9 = arith.constant 2000 : i32
      %mul3A_10 = arith.muli %scan3A_8, %mul3A_9 : i32
      %add3A_11 = arith.addi %mul3A_2, %mul3A_10 : i32
      "tpu.region"() ({
        %run_scoped3A = tpu.sem_alloc : memref<!tpu.dma_semaphore, #tpu.memory_space<semaphore_mem>>
        %dma_start3A_16 = tpu.memref_slice %arg3[%add3A_11] : memref<3200000xi32, #tpu.memory_space<hbm>> -> memref<2000xi32, #tpu.memory_space<hbm>>
        %dma_start3A_17 = tpu.memref_slice %arg3[%add3A_11] : memref<3200000xi32, #tpu.memory_space<hbm>> -> memref<2000xi32, #tpu.memory_space<hbm>>
        tpu.enqueue_dma source(%dma_start3A_17 : memref<2000xi32, #tpu.memory_space<hbm>>) target(%arg5 : memref<2000xi32, #tpu.memory_space<vmem>>) target_semaphore(%run_scoped3A : memref<!tpu.dma_semaphore, #tpu.memory_space<semaphore_mem>>)
        %dma_wait3A_18 = tpu.memref_slice %arg3[%add3A_11] : memref<3200000xi32, #tpu.memory_space<hbm>> -> memref<2000xi32, #tpu.memory_space<hbm>>
        %dma_wait3A_19 = tpu.memref_slice %arg3[%add3A_11] : memref<3200000xi32, #tpu.memory_space<hbm>> -> memref<2000xi32, #tpu.memory_space<hbm>>
        tpu.wait_dma2 semaphore(%run_scoped3A : memref<!tpu.dma_semaphore, #tpu.memory_space<semaphore_mem>>) src(%dma_wait3A_19 : memref<2000xi32, #tpu.memory_space<hbm>>) dst(%arg5 : memref<2000xi32, #tpu.memory_space<vmem>>)
        tpu.yield
      }) : () -> ()
      %dma_start3A = arith.constant 0 : i32
      %dma_start3A_12 = arith.constant 0 : i32
      %dma_start3A_13 = tpu.memref_slice %arg2[%dma_start3A, %dma_start3A_12] : memref<51200x8xf32, #tpu.memory_space<hbm>> -> memref<51200x8xf32, #tpu.memory_space<hbm>>
      tpu.enqueue_indirect_dma source(%dma_start3A_13 : memref<51200x8xf32, #tpu.memory_space<hbm>>) target(%arg6 : memref<2000x8xf32, #tpu.memory_space<vmem>>) offsets(%arg5 : memref<2000xi32, #tpu.memory_space<vmem>>) semaphore(%arg7 : memref<!tpu.dma_semaphore, #tpu.memory_space<semaphore_mem>>)
      %dma_wait3A = arith.constant 0 : i32
      %dma_wait3A_14 = arith.constant 0 : i32
      %dma_wait3A_15 = tpu.memref_slice %arg2[%dma_wait3A, %dma_wait3A_14] : memref<51200x8xf32, #tpu.memory_space<hbm>> -> memref<51200x8xf32, #tpu.memory_space<hbm>>
      tpu.wait_indirect_dma semaphore(%arg7 : memref<!tpu.dma_semaphore, #tpu.memory_space<semaphore_mem>>) src(%dma_wait3A_15 : memref<51200x8xf32, #tpu.memory_space<hbm>>) dst(%arg6 : memref<2000x8xf32, #tpu.memory_space<vmem>>)
      "tpu.region"() ({
        %run_scoped3A = tpu.sem_alloc : memref<!tpu.dma_semaphore, #tpu.memory_space<semaphore_mem>>
        %dma_start3A_16 = arith.constant 0 : i32
        %dma_start3A_17 = tpu.memref_slice %arg4[%add3A_11, %dma_start3A_16] : memref<3200000x8xf32, #tpu.memory_space<hbm>> -> memref<2000x8xf32, #tpu.memory_space<hbm>>
        %dma_start3A_18 = arith.constant 0 : i32
        %dma_start3A_19 = tpu.memref_slice %arg4[%add3A_11, %dma_start3A_18] : memref<3200000x8xf32, #tpu.memory_space<hbm>> -> memref<2000x8xf32, #tpu.memory_space<hbm>>
        tpu.enqueue_dma source(%arg6 : memref<2000x8xf32, #tpu.memory_space<vmem>>) target(%dma_start3A_19 : memref<2000x8xf32, #tpu.memory_space<hbm>>) target_semaphore(%run_scoped3A : memref<!tpu.dma_semaphore, #tpu.memory_space<semaphore_mem>>)
        %dma_wait3A_20 = arith.constant 0 : i32
        %dma_wait3A_21 = tpu.memref_slice %arg4[%add3A_11, %dma_wait3A_20] : memref<3200000x8xf32, #tpu.memory_space<hbm>> -> memref<2000x8xf32, #tpu.memory_space<hbm>>
        %dma_wait3A_22 = arith.constant 0 : i32
        %dma_wait3A_23 = tpu.memref_slice %arg4[%add3A_11, %dma_wait3A_22] : memref<3200000x8xf32, #tpu.memory_space<hbm>> -> memref<2000x8xf32, #tpu.memory_space<hbm>>
        tpu.wait_dma2 semaphore(%run_scoped3A : memref<!tpu.dma_semaphore, #tpu.memory_space<semaphore_mem>>) src(%arg6 : memref<2000x8xf32, #tpu.memory_space<vmem>>) dst(%dma_wait3A_23 : memref<2000x8xf32, #tpu.memory_space<hbm>>)
        tpu.yield
      }) : () -> ()
    }
    %scan3A_7 = arith.constant 50 : i32
    return
  }
}

#map = affine_map<(d0, d1) -> (0, 0)>
#map1 = affine_map<(d0, d1) -> (0)>
module attributes {stable_mosaic.version = 14 : i64} {
  func.func @_sc_gather(%arg0: i32, %arg1: i32, %arg2: memref<51200x8xf32, #tpu.memory_space<hbm>>, %arg3: memref<3200000xi32, #tpu.memory_space<hbm>>, %arg4: memref<3200000x8xf32, #tpu.memory_space<hbm>>, %arg5: memref<2000xi32, #tpu.memory_space<vmem>>, %arg6: memref<2000x8xf32, #tpu.memory_space<vmem>>, %arg7: memref<!tpu.dma_semaphore, #tpu.memory_space<semaphore_mem>>) attributes {dimension_semantics = [#tpu.dimension_semantics<core_parallel>, #tpu.dimension_semantics<subcore_parallel>], iteration_bounds = array<i64: 2, 16>, scalar_prefetch = 0 : i64, scratch_operands = 3 : i64, tpu.core_type = #tpu.core_type<sc_vector_subcore>, window_params = [{transform_indices = #map}, {transform_indices = #map1}, {transform_indices = #map}]} {
    %mul3A = arith.constant 2 : i32
    %mul3A_0 = arith.muli %arg1, %mul3A : i32
    %add3A = arith.addi %mul3A_0, %arg0 : i32
    %mul3A_1 = arith.constant 100000 : i32
    %mul3A_2 = arith.muli %add3A, %mul3A_1 : i32
    %scan3A = arith.constant 0 : i32
    %scan3A_3 = arith.constant 0 : i32
    %scan3A_4 = arith.constant 50 : i32
    %scan3A_5 = arith.addi %scan3A_3, %scan3A_4 : i32
    %scan3A_6 = arith.constant 1 : i32
    scf.for %scan3A_8 = %scan3A_3 to %scan3A_5 step %scan3A_6  : i32 {
      %mul3A_9 = arith.constant 2000 : i32
      %mul3A_10 = arith.muli %scan3A_8, %mul3A_9 : i32
      %add3A_11 = arith.addi %mul3A_2, %mul3A_10 : i32
      "tpu.region"() ({
        %run_scoped3A = tpu.sem_alloc : memref<!tpu.dma_semaphore, #tpu.memory_space<semaphore_mem>>
        %dma_start3A_16 = tpu.memref_slice %arg3[%add3A_11] : memref<3200000xi32, #tpu.memory_space<hbm>> -> memref<2000xi32, #tpu.memory_space<hbm>>
        %dma_start3A_17 = tpu.memref_slice %arg3[%add3A_11] : memref<3200000xi32, #tpu.memory_space<hbm>> -> memref<2000xi32, #tpu.memory_space<hbm>>
        tpu.enqueue_dma source(%dma_start3A_17 : memref<2000xi32, #tpu.memory_space<hbm>>) target(%arg5 : memref<2000xi32, #tpu.memory_space<vmem>>) target_semaphore(%run_scoped3A : memref<!tpu.dma_semaphore, #tpu.memory_space<semaphore_mem>>)
        %dma_wait3A_18 = tpu.memref_slice %arg3[%add3A_11] : memref<3200000xi32, #tpu.memory_space<hbm>> -> memref<2000xi32, #tpu.memory_space<hbm>>
        %dma_wait3A_19 = tpu.memref_slice %arg3[%add3A_11] : memref<3200000xi32, #tpu.memory_space<hbm>> -> memref<2000xi32, #tpu.memory_space<hbm>>
        tpu.wait_dma2 semaphore(%run_scoped3A : memref<!tpu.dma_semaphore, #tpu.memory_space<semaphore_mem>>) src(%dma_wait3A_19 : memref<2000xi32, #tpu.memory_space<hbm>>) dst(%arg5 : memref<2000xi32, #tpu.memory_space<vmem>>)
        tpu.yield
      }) : () -> ()
      %dma_start3A = arith.constant 0 : i32
      %dma_start3A_12 = arith.constant 0 : i32
      %dma_start3A_13 = tpu.memref_slice %arg2[%dma_start3A, %dma_start3A_12] : memref<51200x8xf32, #tpu.memory_space<hbm>> -> memref<51200x8xf32, #tpu.memory_space<hbm>>
      tpu.enqueue_indirect_dma source(%dma_start3A_13 : memref<51200x8xf32, #tpu.memory_space<hbm>>) target(%arg6 : memref<2000x8xf32, #tpu.memory_space<vmem>>) offsets(%arg5 : memref<2000xi32, #tpu.memory_space<vmem>>) semaphore(%arg7 : memref<!tpu.dma_semaphore, #tpu.memory_space<semaphore_mem>>)
      %dma_wait3A = arith.constant 0 : i32
      %dma_wait3A_14 = arith.constant 0 : i32
      %dma_wait3A_15 = tpu.memref_slice %arg2[%dma_wait3A, %dma_wait3A_14] : memref<51200x8xf32, #tpu.memory_space<hbm>> -> memref<51200x8xf32, #tpu.memory_space<hbm>>
      tpu.wait_indirect_dma semaphore(%arg7 : memref<!tpu.dma_semaphore, #tpu.memory_space<semaphore_mem>>) src(%dma_wait3A_15 : memref<51200x8xf32, #tpu.memory_space<hbm>>) dst(%arg6 : memref<2000x8xf32, #tpu.memory_space<vmem>>)
      "tpu.region"() ({
        %run_scoped3A = tpu.sem_alloc : memref<!tpu.dma_semaphore, #tpu.memory_space<semaphore_mem>>
        %dma_start3A_16 = arith.constant 0 : i32
        %dma_start3A_17 = tpu.memref_slice %arg4[%add3A_11, %dma_start3A_16] : memref<3200000x8xf32, #tpu.memory_space<hbm>> -> memref<2000x8xf32, #tpu.memory_space<hbm>>
        %dma_start3A_18 = arith.constant 0 : i32
        %dma_start3A_19 = tpu.memref_slice %arg4[%add3A_11, %dma_start3A_18] : memref<3200000x8xf32, #tpu.memory_space<hbm>> -> memref<2000x8xf32, #tpu.memory_space<hbm>>
        tpu.enqueue_dma source(%arg6 : memref<2000x8xf32, #tpu.memory_space<vmem>>) target(%dma_start3A_19 : memref<2000x8xf32, #tpu.memory_space<hbm>>) target_semaphore(%run_scoped3A : memref<!tpu.dma_semaphore, #tpu.memory_space<semaphore_mem>>)
        %dma_wait3A_20 = arith.constant 0 : i32
        %dma_wait3A_21 = tpu.memref_slice %arg4[%add3A_11, %dma_wait3A_20] : memref<3200000x8xf32, #tpu.memory_space<hbm>> -> memref<2000x8xf32, #tpu.memory_space<hbm>>
        %dma_wait3A_22 = arith.constant 0 : i32
        %dma_wait3A_23 = tpu.memref_slice %arg4[%add3A_11, %dma_wait3A_22] : memref<3200000x8xf32, #tpu.memory_space<hbm>> -> memref<2000x8xf32, #tpu.memory_space<hbm>>
        tpu.wait_dma2 semaphore(%run_scoped3A : memref<!tpu.dma_semaphore, #tpu.memory_space<semaphore_mem>>) src(%arg6 : memref<2000x8xf32, #tpu.memory_space<vmem>>) dst(%dma_wait3A_23 : memref<2000x8xf32, #tpu.memory_space<hbm>>)
        tpu.yield
      }) : () -> ()
    }
    %scan3A_7 = arith.constant 50 : i32
    return
  }
}

#map = affine_map<(d0, d1) -> (0, 0)>
#map1 = affine_map<(d0, d1) -> (0)>
#map2 = affine_map<(d0, d1) -> (0, 0, 0)>
module attributes {stable_mosaic.version = 14 : i64} {
  func.func @_sc_scatter(%arg0: i32, %arg1: i32, %arg2: memref<1600000x8xf32, #tpu.memory_space<hbm>>, %arg3: memref<1600000xi32, #tpu.memory_space<hbm>>, %arg4: memref<51200x8xf32, #tpu.memory_space<hbm>>, %arg5: memref<2x51200x8xf32, #tpu.memory_space<hbm>>, %arg6: memref<2000xi32, #tpu.memory_space<vmem>>, %arg7: memref<2000x8xf32, #tpu.memory_space<vmem>>, %arg8: memref<51200x8xf32, #tpu.memory_space<vmem_shared>>, %arg9: memref<!tpu.dma_semaphore, #tpu.memory_space<semaphore_mem>>) attributes {dimension_semantics = [#tpu.dimension_semantics<core_parallel>, #tpu.dimension_semantics<subcore_parallel>], iteration_bounds = array<i64: 2, 16>, scalar_prefetch = 0 : i64, scratch_operands = 4 : i64, tpu.core_type = #tpu.core_type<sc_vector_subcore>, window_params = [{transform_indices = #map}, {transform_indices = #map1}, {transform_indices = #map}, {transform_indices = #map2}]} {
    %mul3A = arith.constant 3200 : i32
    %mul3A_0 = arith.muli %arg1, %mul3A : i32
    %mul3A_1 = arith.constant 3200 : i32
    %mul3A_2 = arith.muli %arg1, %mul3A_1 : i32
    "tpu.region"() ({
      %run_scoped3A = tpu.sem_alloc : memref<!tpu.dma_semaphore, #tpu.memory_space<semaphore_mem>>
      %dma_start3A = arith.constant 0 : i32
      %dma_start3A_17 = tpu.memref_slice %arg8[%mul3A_2, %dma_start3A] : memref<51200x8xf32, #tpu.memory_space<vmem_shared>> -> memref<3200x8xf32, #tpu.memory_space<vmem_shared>>
      %dma_start3A_18 = arith.constant 0 : i32
      %dma_start3A_19 = tpu.memref_slice %arg4[%mul3A_0, %dma_start3A_18] : memref<51200x8xf32, #tpu.memory_space<hbm>> -> memref<3200x8xf32, #tpu.memory_space<hbm>>
      tpu.enqueue_dma source(%dma_start3A_19 : memref<3200x8xf32, #tpu.memory_space<hbm>>) target(%dma_start3A_17 : memref<3200x8xf32, #tpu.memory_space<vmem_shared>>) target_semaphore(%run_scoped3A : memref<!tpu.dma_semaphore, #tpu.memory_space<semaphore_mem>>)
      %dma_wait3A = arith.constant 0 : i32
      %dma_wait3A_20 = tpu.memref_slice %arg8[%mul3A_2, %dma_wait3A] : memref<51200x8xf32, #tpu.memory_space<vmem_shared>> -> memref<3200x8xf32, #tpu.memory_space<vmem_shared>>
      %dma_wait3A_21 = arith.constant 0 : i32
      %dma_wait3A_22 = tpu.memref_slice %arg4[%mul3A_0, %dma_wait3A_21] : memref<51200x8xf32, #tpu.memory_space<hbm>> -> memref<3200x8xf32, #tpu.memory_space<hbm>>
      tpu.wait_dma2 semaphore(%run_scoped3A : memref<!tpu.dma_semaphore, #tpu.memory_space<semaphore_mem>>) src(%dma_wait3A_22 : memref<3200x8xf32, #tpu.memory_space<hbm>>) dst(%dma_wait3A_20 : memref<3200x8xf32, #tpu.memory_space<vmem_shared>>)
      tpu.yield
    }) : () -> ()
    %barrier3A = arith.constant 0 : index
    tpu.barrier barrier_id(%barrier3A)
    %mul3A_3 = arith.constant 2 : i32
    %mul3A_4 = arith.muli %arg1, %mul3A_3 : i32
    %add3A = arith.addi %mul3A_4, %arg0 : i32
    %mul3A_5 = arith.constant 50000 : i32
    %mul3A_6 = arith.muli %add3A, %mul3A_5 : i32
    %scan3A = arith.constant 0 : i32
    %scan3A_7 = arith.constant 0 : i32
    %scan3A_8 = arith.constant 25 : i32
    %scan3A_9 = arith.addi %scan3A_7, %scan3A_8 : i32
    %scan3A_10 = arith.constant 1 : i32
    scf.for %scan3A_17 = %scan3A_7 to %scan3A_9 step %scan3A_10  : i32 {
      %mul3A_18 = arith.constant 2000 : i32
      %mul3A_19 = arith.muli %scan3A_17, %mul3A_18 : i32
      %add3A_20 = arith.addi %mul3A_6, %mul3A_19 : i32
      "tpu.region"() ({
        %run_scoped3A = tpu.sem_alloc : memref<!tpu.dma_semaphore, #tpu.memory_space<semaphore_mem>>
        %dma_start3A = tpu.memref_slice %arg3[%add3A_20] : memref<1600000xi32, #tpu.memory_space<hbm>> -> memref<2000xi32, #tpu.memory_space<hbm>>
        %dma_start3A_21 = tpu.memref_slice %arg3[%add3A_20] : memref<1600000xi32, #tpu.memory_space<hbm>> -> memref<2000xi32, #tpu.memory_space<hbm>>
        tpu.enqueue_dma source(%dma_start3A_21 : memref<2000xi32, #tpu.memory_space<hbm>>) target(%arg6 : memref<2000xi32, #tpu.memory_space<vmem>>) target_semaphore(%run_scoped3A : memref<!tpu.dma_semaphore, #tpu.memory_space<semaphore_mem>>)
        %dma_wait3A = tpu.memref_slice %arg3[%add3A_20] : memref<1600000xi32, #tpu.memory_space<hbm>> -> memref<2000xi32, #tpu.memory_space<hbm>>
        %dma_wait3A_22 = tpu.memref_slice %arg3[%add3A_20] : memref<1600000xi32, #tpu.memory_space<hbm>> -> memref<2000xi32, #tpu.memory_space<hbm>>
        tpu.wait_dma2 semaphore(%run_scoped3A : memref<!tpu.dma_semaphore, #tpu.memory_space<semaphore_mem>>) src(%dma_wait3A_22 : memref<2000xi32, #tpu.memory_space<hbm>>) dst(%arg6 : memref<2000xi32, #tpu.memory_space<vmem>>)
        tpu.yield
      }) : () -> ()
      "tpu.region"() ({
        %run_scoped3A = tpu.sem_alloc : memref<!tpu.dma_semaphore, #tpu.memory_space<semaphore_mem>>
        %dma_start3A = arith.constant 0 : i32
        %dma_start3A_21 = tpu.memref_slice %arg2[%add3A_20, %dma_start3A] : memref<1600000x8xf32, #tpu.memory_space<hbm>> -> memref<2000x8xf32, #tpu.memory_space<hbm>>
        %dma_start3A_22 = arith.constant 0 : i32
        %dma_start3A_23 = tpu.memref_slice %arg2[%add3A_20, %dma_start3A_22] : memref<1600000x8xf32, #tpu.memory_space<hbm>> -> memref<2000x8xf32, #tpu.memory_space<hbm>>
        tpu.enqueue_dma source(%dma_start3A_23 : memref<2000x8xf32, #tpu.memory_space<hbm>>) target(%arg7 : memref<2000x8xf32, #tpu.memory_space<vmem>>) target_semaphore(%run_scoped3A : memref<!tpu.dma_semaphore, #tpu.memory_space<semaphore_mem>>)
        %dma_wait3A = arith.constant 0 : i32
        %dma_wait3A_24 = tpu.memref_slice %arg2[%add3A_20, %dma_wait3A] : memref<1600000x8xf32, #tpu.memory_space<hbm>> -> memref<2000x8xf32, #tpu.memory_space<hbm>>
        %dma_wait3A_25 = arith.constant 0 : i32
        %dma_wait3A_26 = tpu.memref_slice %arg2[%add3A_20, %dma_wait3A_25] : memref<1600000x8xf32, #tpu.memory_space<hbm>> -> memref<2000x8xf32, #tpu.memory_space<hbm>>
        tpu.wait_dma2 semaphore(%run_scoped3A : memref<!tpu.dma_semaphore, #tpu.memory_space<semaphore_mem>>) src(%dma_wait3A_26 : memref<2000x8xf32, #tpu.memory_space<hbm>>) dst(%arg7 : memref<2000x8xf32, #tpu.memory_space<vmem>>)
        tpu.yield
      }) : () -> ()
      "tpu.region"() ({
        %run_scoped3A = tpu.sem_alloc : memref<!tpu.dma_semaphore, #tpu.memory_space<semaphore_mem>>
        %dma_start3A = arith.constant 0 : i32
        %dma_start3A_21 = arith.constant 0 : i32
        %dma_start3A_22 = tpu.memref_slice %arg8[%dma_start3A, %dma_start3A_21] : memref<51200x8xf32, #tpu.memory_space<vmem_shared>> -> memref<51200x8xf32, #tpu.memory_space<vmem_shared>>
        tpu.enqueue_indirect_dma source(%arg7 : memref<2000x8xf32, #tpu.memory_space<vmem>>) target(%dma_start3A_22 : memref<51200x8xf32, #tpu.memory_space<vmem_shared>>) offsets(%arg6 : memref<2000xi32, #tpu.memory_space<vmem>>) semaphore(%run_scoped3A : memref<!tpu.dma_semaphore, #tpu.memory_space<semaphore_mem>>) {add = true}
        %dma_wait3A = arith.constant 0 : i32
        %dma_wait3A_23 = arith.constant 0 : i32
        %dma_wait3A_24 = tpu.memref_slice %arg8[%dma_wait3A, %dma_wait3A_23] : memref<51200x8xf32, #tpu.memory_space<vmem_shared>> -> memref<51200x8xf32, #tpu.memory_space<vmem_shared>>
        tpu.wait_indirect_dma semaphore(%run_scoped3A : memref<!tpu.dma_semaphore, #tpu.memory_space<semaphore_mem>>) src(%arg7 : memref<2000x8xf32, #tpu.memory_space<vmem>>) dst(%dma_wait3A_24 : memref<51200x8xf32, #tpu.memory_space<vmem_shared>>)
        tpu.yield
      }) : () -> ()
    }
    %scan3A_11 = arith.constant 25 : i32
    %barrier3A_12 = arith.constant 0 : index
    tpu.barrier barrier_id(%barrier3A_12)
    %mul3A_13 = arith.constant 3200 : i32
    %mul3A_14 = arith.muli %arg1, %mul3A_13 : i32
    %mul3A_15 = arith.constant 3200 : i32
    %mul3A_16 = arith.muli %arg1, %mul3A_15 : i32
    "tpu.region"() ({
      %run_scoped3A = tpu.sem_alloc : memref<!tpu.dma_semaphore, #tpu.memory_space<semaphore_mem>>
      %dma_start3A = arith.constant 0 : i32
      %dma_start3A_17 = tpu.memref_slice %arg5[%arg0, %mul3A_16, %dma_start3A] : memref<2x51200x8xf32, #tpu.memory_space<hbm>> -> memref<1x3200x8xf32, #tpu.memory_space<hbm>>
      %dma_start3A_18 = tpu.memref_squeeze %dma_start3A_17 : memref<1x3200x8xf32, #tpu.memory_space<hbm>> -> memref<3200x8xf32, #tpu.memory_space<hbm>>
      %dma_start3A_19 = arith.constant 0 : i32
      %dma_start3A_20 = tpu.memref_slice %arg8[%mul3A_14, %dma_start3A_19] : memref<51200x8xf32, #tpu.memory_space<vmem_shared>> -> memref<3200x8xf32, #tpu.memory_space<vmem_shared>>
      tpu.enqueue_dma source(%dma_start3A_20 : memref<3200x8xf32, #tpu.memory_space<vmem_shared>>) target(%dma_start3A_18 : memref<3200x8xf32, #tpu.memory_space<hbm>>) target_semaphore(%run_scoped3A : memref<!tpu.dma_semaphore, #tpu.memory_space<semaphore_mem>>)
      %dma_wait3A = arith.constant 0 : i32
      %dma_wait3A_21 = tpu.memref_slice %arg5[%arg0, %mul3A_16, %dma_wait3A] : memref<2x51200x8xf32, #tpu.memory_space<hbm>> -> memref<1x3200x8xf32, #tpu.memory_space<hbm>>
      %dma_wait3A_22 = tpu.memref_squeeze %dma_wait3A_21 : memref<1x3200x8xf32, #tpu.memory_space<hbm>> -> memref<3200x8xf32, #tpu.memory_space<hbm>>
      %dma_wait3A_23 = arith.constant 0 : i32
      %dma_wait3A_24 = tpu.memref_slice %arg8[%mul3A_14, %dma_wait3A_23] : memref<51200x8xf32, #tpu.memory_space<vmem_shared>> -> memref<3200x8xf32, #tpu.memory_space<vmem_shared>>
      tpu.wait_dma2 semaphore(%run_scoped3A : memref<!tpu.dma_semaphore, #tpu.memory_space<semaphore_mem>>) src(%dma_wait3A_24 : memref<3200x8xf32, #tpu.memory_space<vmem_shared>>) dst(%dma_wait3A_22 : memref<3200x8xf32, #tpu.memory_space<hbm>>)
      tpu.yield
    }) : () -> ()
    return
  }
}

module attributes {stable_mosaic.version = 14 : i64} {
  func.func @_edge_body(%arg0: i32, %arg1: memref<8000x16xf32, #tpu.memory_space<vmem>>, %arg2: memref<8000x6xf32, #tpu.memory_space<vmem>>, %arg3: memref<16x64xf32, #tpu.memory_space<vmem>>, %arg4: memref<6x64xf32, #tpu.memory_space<vmem>>, %arg5: memref<1x64xf32, #tpu.memory_space<vmem>>, %arg6: memref<64x8xf32, #tpu.memory_space<vmem>>, %arg7: memref<1x8xf32, #tpu.memory_space<vmem>>, %arg8: memref<8000x8xf32, #tpu.memory_space<vmem>>) attributes {dimension_semantics = [#tpu.dimension_semantics<arbitrary>], iteration_bounds = array<i64: 200>, scalar_prefetch = 0 : i64, scratch_operands = 0 : i64, tpu.core_type = #tpu.core_type<tc>, window_params = [{transform_indices = @transform_0, window_bounds = array<i64: 8000, 16>}, {transform_indices = @transform_1, window_bounds = array<i64: 8000, 6>}, {pipeline_mode = #tpu.pipeline_mode<synchronous>, transform_indices = @transform_2, window_bounds = array<i64: 16, 64>}, {pipeline_mode = #tpu.pipeline_mode<synchronous>, transform_indices = @transform_3, window_bounds = array<i64: 6, 64>}, {pipeline_mode = #tpu.pipeline_mode<synchronous>, transform_indices = @transform_4, window_bounds = array<i64: 1, 64>}, {pipeline_mode = #tpu.pipeline_mode<synchronous>, transform_indices = @transform_5, window_bounds = array<i64: 64, 8>}, {pipeline_mode = #tpu.pipeline_mode<synchronous>, transform_indices = @transform_6, window_bounds = array<i64: 1, 8>}, {transform_indices = @transform_7, window_bounds = array<i64: 8000, 8>}]} {
    %get3A = arith.constant 0 : index
    %get3A_0 = arith.constant 0 : index
    %get3A_1 = vector.load %arg1[%get3A, %get3A_0] : memref<8000x16xf32, #tpu.memory_space<vmem>>, vector<8000x16xf32>
    %get3A_2 = arith.constant 0 : index
    %get3A_3 = arith.constant 0 : index
    %get3A_4 = vector.load %arg3[%get3A_2, %get3A_3] : memref<16x64xf32, #tpu.memory_space<vmem>>, vector<16x64xf32>
    %dot_general3A = arith.constant dense<0.000000e+00> : vector<8000x64xf32>
    %dot_general3A_5 = tpu.matmul %get3A_1, %get3A_4, %dot_general3A {dimension_numbers = #tpu.dot_dimension_numbers<[1], [0], [0], [1], [0, 0, 1, 1], [], []>, transpose_lhs_hint = false} : vector<8000x16xf32>, vector<16x64xf32>, vector<8000x64xf32> -> vector<8000x64xf32>
    %get3A_6 = arith.constant 0 : index
    %get3A_7 = arith.constant 0 : index
    %get3A_8 = vector.load %arg2[%get3A_6, %get3A_7] : memref<8000x6xf32, #tpu.memory_space<vmem>>, vector<8000x6xf32>
    %get3A_9 = arith.constant 0 : index
    %get3A_10 = arith.constant 0 : index
    %get3A_11 = vector.load %arg4[%get3A_9, %get3A_10] : memref<6x64xf32, #tpu.memory_space<vmem>>, vector<6x64xf32>
    %dot_general3A_12 = arith.constant dense<0.000000e+00> : vector<8000x64xf32>
    %dot_general3A_13 = tpu.matmul %get3A_8, %get3A_11, %dot_general3A_12 {dimension_numbers = #tpu.dot_dimension_numbers<[1], [0], [0], [1], [0, 0, 1, 1], [], []>, transpose_lhs_hint = false} : vector<8000x6xf32>, vector<6x64xf32>, vector<8000x64xf32> -> vector<8000x64xf32>
    %add3A = arith.addf %dot_general3A_5, %dot_general3A_13 : vector<8000x64xf32>
    %get3A_14 = arith.constant 0 : index
    %get3A_15 = arith.constant 0 : index
    %get3A_16 = vector.load %arg5[%get3A_14, %get3A_15] : memref<1x64xf32, #tpu.memory_space<vmem>>, vector<1x64xf32>
    %add3A_17 = vector.broadcast %get3A_16 : vector<1x64xf32> to vector<8000x64xf32>
    %add3A_18 = arith.addf %add3A, %add3A_17 : vector<8000x64xf32>
    %max3A = arith.constant 0.000000e+00 : f32
    %max3A_19 = vector.broadcast %max3A : f32 to vector<8000x64xf32>
    %max3A_20 = arith.maximumf %add3A_18, %max3A_19 : vector<8000x64xf32>
    %get3A_21 = arith.constant 0 : index
    %get3A_22 = arith.constant 0 : index
    %get3A_23 = vector.load %arg6[%get3A_21, %get3A_22] : memref<64x8xf32, #tpu.memory_space<vmem>>, vector<64x8xf32>
    %dot_general3A_24 = arith.constant dense<0.000000e+00> : vector<8000x8xf32>
    %dot_general3A_25 = tpu.matmul %max3A_20, %get3A_23, %dot_general3A_24 {dimension_numbers = #tpu.dot_dimension_numbers<[1], [0], [0], [1], [0, 0, 1, 1], [], []>, transpose_lhs_hint = false} : vector<8000x64xf32>, vector<64x8xf32>, vector<8000x8xf32> -> vector<8000x8xf32>
    %get3A_26 = arith.constant 0 : index
    %get3A_27 = arith.constant 0 : index
    %get3A_28 = vector.load %arg7[%get3A_26, %get3A_27] : memref<1x8xf32, #tpu.memory_space<vmem>>, vector<1x8xf32>
    %add3A_29 = vector.broadcast %get3A_28 : vector<1x8xf32> to vector<8000x8xf32>
    %add3A_30 = arith.addf %dot_general3A_25, %add3A_29 : vector<8000x8xf32>
    %swap3A = arith.constant 0 : index
    %swap3A_31 = arith.constant 0 : index
    %swap3A_32 = vector.load %arg8[%swap3A, %swap3A_31] : memref<8000x8xf32, #tpu.memory_space<vmem>>, vector<8000x8xf32>
    tpu.vector_store %arg8[%swap3A, %swap3A_31], %add3A_30 {strides = array<i32>} : memref<8000x8xf32, #tpu.memory_space<vmem>>, vector<8000x8xf32>,
    return
  }
  func.func @transform_0(%arg0: i32) -> (i32, i32) {
    %c0_i32 = arith.constant 0 : i32
    %c0_i32_0 = arith.constant 0 : i32
    return %arg0, %c0_i32 : i32, i32
  }
  func.func @transform_1(%arg0: i32) -> (i32, i32) {
    %c0_i32 = arith.constant 0 : i32
    %c0_i32_0 = arith.constant 0 : i32
    return %arg0, %c0_i32 : i32, i32
  }
  func.func @transform_2(%arg0: i32) -> (i32, i32) {
    %c0_i32 = arith.constant 0 : i32
    %c0_i32_0 = arith.constant 0 : i32
    %c0_i32_1 = arith.constant 0 : i32
    return %c0_i32, %c0_i32_0 : i32, i32
  }
  func.func @transform_3(%arg0: i32) -> (i32, i32) {
    %c0_i32 = arith.constant 0 : i32
    %c0_i32_0 = arith.constant 0 : i32
    %c0_i32_1 = arith.constant 0 : i32
    return %c0_i32, %c0_i32_0 : i32, i32
  }
  func.func @transform_4(%arg0: i32) -> (i32, i32) {
    %c0_i32 = arith.constant 0 : i32
    %c0_i32_0 = arith.constant 0 : i32
    %c0_i32_1 = arith.constant 0 : i32
    return %c0_i32, %c0_i32_0 : i32, i32
  }
  func.func @transform_5(%arg0: i32) -> (i32, i32) {
    %c0_i32 = arith.constant 0 : i32
    %c0_i32_0 = arith.constant 0 : i32
    %c0_i32_1 = arith.constant 0 : i32
    return %c0_i32, %c0_i32_0 : i32, i32
  }
  func.func @transform_6(%arg0: i32) -> (i32, i32) {
    %c0_i32 = arith.constant 0 : i32
    %c0_i32_0 = arith.constant 0 : i32
    %c0_i32_1 = arith.constant 0 : i32
    return %c0_i32, %c0_i32_0 : i32, i32
  }
  func.func @transform_7(%arg0: i32) -> (i32, i32) {
    %c0_i32 = arith.constant 0 : i32
    %c0_i32_0 = arith.constant 0 : i32
    return %arg0, %c0_i32 : i32, i32
  }
}

module attributes {stable_mosaic.version = 14 : i64} {
  func.func @_vertex_body(%arg0: i32, %arg1: memref<3200x8xf32, #tpu.memory_space<vmem>>, %arg2: memref<2x3200x8xf32, #tpu.memory_space<vmem>>, %arg3: memref<8x32xf32, #tpu.memory_space<vmem>>, %arg4: memref<8x32xf32, #tpu.memory_space<vmem>>, %arg5: memref<1x32xf32, #tpu.memory_space<vmem>>, %arg6: memref<32x8xf32, #tpu.memory_space<vmem>>, %arg7: memref<1x8xf32, #tpu.memory_space<vmem>>, %arg8: memref<3200x8xf32, #tpu.memory_space<vmem>>, %arg9: memref<1x8xf32, #tpu.memory_space<vmem>>) attributes {dimension_semantics = [#tpu.dimension_semantics<arbitrary>], iteration_bounds = array<i64: 16>, scalar_prefetch = 0 : i64, scratch_operands = 0 : i64, tpu.core_type = #tpu.core_type<tc>, window_params = [{transform_indices = @transform_0, window_bounds = array<i64: 3200, 8>}, {transform_indices = @transform_1, window_bounds = array<i64: 2, 3200, 8>}, {pipeline_mode = #tpu.pipeline_mode<synchronous>, transform_indices = @transform_2, window_bounds = array<i64: 8, 32>}, {pipeline_mode = #tpu.pipeline_mode<synchronous>, transform_indices = @transform_3, window_bounds = array<i64: 8, 32>}, {pipeline_mode = #tpu.pipeline_mode<synchronous>, transform_indices = @transform_4, window_bounds = array<i64: 1, 32>}, {pipeline_mode = #tpu.pipeline_mode<synchronous>, transform_indices = @transform_5, window_bounds = array<i64: 32, 8>}, {pipeline_mode = #tpu.pipeline_mode<synchronous>, transform_indices = @transform_6, window_bounds = array<i64: 1, 8>}, {transform_indices = @transform_7, window_bounds = array<i64: 3200, 8>}, {pipeline_mode = #tpu.pipeline_mode<synchronous>, transform_indices = @transform_8, window_bounds = array<i64: 1, 8>}]} {
    %get3A = arith.constant 0 : index
    %get3A_0 = arith.constant 0 : index
    %get3A_1 = vector.load %arg1[%get3A, %get3A_0] : memref<3200x8xf32, #tpu.memory_space<vmem>>, vector<3200x8xf32>
    %get3A_2 = arith.constant 0 : index
    %get3A_3 = arith.constant 0 : index
    %get3A_4 = arith.constant 0 : index
    %get3A_5 = vector.load %arg2[%get3A_2, %get3A_3, %get3A_4] : memref<2x3200x8xf32, #tpu.memory_space<vmem>>, vector<1x3200x8xf32>
    %get3A_6 = vector.shape_cast %get3A_5 : vector<1x3200x8xf32> to vector<3200x8xf32>
    %get3A_7 = arith.constant 1 : index
    %get3A_8 = arith.constant 0 : index
    %get3A_9 = arith.constant 0 : index
    %get3A_10 = vector.load %arg2[%get3A_7, %get3A_8, %get3A_9] : memref<2x3200x8xf32, #tpu.memory_space<vmem>>, vector<1x3200x8xf32>
    %get3A_11 = vector.shape_cast %get3A_10 : vector<1x3200x8xf32> to vector<3200x8xf32>
    %add3A = arith.addf %get3A_6, %get3A_11 : vector<3200x8xf32>
    %get3A_12 = arith.constant 0 : index
    %get3A_13 = arith.constant 0 : index
    %get3A_14 = vector.load %arg3[%get3A_12, %get3A_13] : memref<8x32xf32, #tpu.memory_space<vmem>>, vector<8x32xf32>
    %dot_general3A = arith.constant dense<0.000000e+00> : vector<3200x32xf32>
    %dot_general3A_15 = tpu.matmul %get3A_1, %get3A_14, %dot_general3A {dimension_numbers = #tpu.dot_dimension_numbers<[1], [0], [0], [1], [0, 0, 1, 1], [], []>, transpose_lhs_hint = false} : vector<3200x8xf32>, vector<8x32xf32>, vector<3200x32xf32> -> vector<3200x32xf32>
    %get3A_16 = arith.constant 0 : index
    %get3A_17 = arith.constant 0 : index
    %get3A_18 = vector.load %arg4[%get3A_16, %get3A_17] : memref<8x32xf32, #tpu.memory_space<vmem>>, vector<8x32xf32>
    %dot_general3A_19 = arith.constant dense<0.000000e+00> : vector<3200x32xf32>
    %dot_general3A_20 = tpu.matmul %add3A, %get3A_18, %dot_general3A_19 {dimension_numbers = #tpu.dot_dimension_numbers<[1], [0], [0], [1], [0, 0, 1, 1], [], []>, transpose_lhs_hint = false} : vector<3200x8xf32>, vector<8x32xf32>, vector<3200x32xf32> -> vector<3200x32xf32>
    %add3A_21 = arith.addf %dot_general3A_15, %dot_general3A_20 : vector<3200x32xf32>
    %get3A_22 = arith.constant 0 : index
    %get3A_23 = arith.constant 0 : index
    %get3A_24 = vector.load %arg5[%get3A_22, %get3A_23] : memref<1x32xf32, #tpu.memory_space<vmem>>, vector<1x32xf32>
    %add3A_25 = vector.broadcast %get3A_24 : vector<1x32xf32> to vector<3200x32xf32>
    %add3A_26 = arith.addf %add3A_21, %add3A_25 : vector<3200x32xf32>
    %max3A = arith.constant 0.000000e+00 : f32
    %max3A_27 = vector.broadcast %max3A : f32 to vector<3200x32xf32>
    %max3A_28 = arith.maximumf %add3A_26, %max3A_27 : vector<3200x32xf32>
    %get3A_29 = arith.constant 0 : index
    %get3A_30 = arith.constant 0 : index
    %get3A_31 = vector.load %arg6[%get3A_29, %get3A_30] : memref<32x8xf32, #tpu.memory_space<vmem>>, vector<32x8xf32>
    %dot_general3A_32 = arith.constant dense<0.000000e+00> : vector<3200x8xf32>
    %dot_general3A_33 = tpu.matmul %max3A_28, %get3A_31, %dot_general3A_32 {dimension_numbers = #tpu.dot_dimension_numbers<[1], [0], [0], [1], [0, 0, 1, 1], [], []>, transpose_lhs_hint = false} : vector<3200x32xf32>, vector<32x8xf32>, vector<3200x8xf32> -> vector<3200x8xf32>
    %get3A_34 = arith.constant 0 : index
    %get3A_35 = arith.constant 0 : index
    %get3A_36 = vector.load %arg7[%get3A_34, %get3A_35] : memref<1x8xf32, #tpu.memory_space<vmem>>, vector<1x8xf32>
    %add3A_37 = vector.broadcast %get3A_36 : vector<1x8xf32> to vector<3200x8xf32>
    %add3A_38 = arith.addf %dot_general3A_33, %add3A_37 : vector<3200x8xf32>
    %mul3A = arith.constant 3200 : i32
    %mul3A_39 = arith.muli %arg0, %mul3A : i32
    %iota3A = tpu.iota {dimensions = array<i32: 0>} : vector<3200x8xi32>
    %add3A_40 = vector.broadcast %mul3A_39 : i32 to vector<3200x8xi32>
    %add3A_41 = arith.addi %add3A_40, %iota3A : vector<3200x8xi32>
    %lt3A = arith.constant 50000 : i32
    %lt3A_42 = vector.broadcast %lt3A : i32 to vector<3200x8xi32>
    %lt3A_43 = arith.cmpi slt, %add3A_41, %lt3A_42 : vector<3200x8xi32>
    %jit3A = arith.constant 0.000000e+00 : f32
    %broadcast_in_dim3A = vector.broadcast %jit3A : f32 to vector<3200x8xf32>
    %select_n3A = arith.select %lt3A_43, %add3A_38, %broadcast_in_dim3A : vector<3200x8xi1>, vector<3200x8xf32>
    %swap3A = arith.constant 0 : index
    %swap3A_44 = arith.constant 0 : index
    %swap3A_45 = vector.load %arg8[%swap3A, %swap3A_44] : memref<3200x8xf32, #tpu.memory_space<vmem>>, vector<3200x8xf32>
    tpu.vector_store %arg8[%swap3A, %swap3A_44], %select_n3A {strides = array<i32>} : memref<3200x8xf32, #tpu.memory_space<vmem>>, vector<3200x8xf32>,
    %eq3A = arith.constant 0 : i32
    %eq3A_46 = arith.cmpi eq, %arg0, %eq3A : i32
    %convert_element_type3A = arith.extui %eq3A_46 : i1 to i32
    %cond3A = arith.constant 0 : i32
    %cond3A_47 = arith.cmpi ne, %convert_element_type3A, %cond3A : i32
    scf.if %cond3A_47 {
      %broadcast_in_dim3A_57 = arith.constant 0.000000e+00 : f32
      %broadcast_in_dim3A_58 = vector.broadcast %broadcast_in_dim3A_57 : f32 to vector<1x8xf32>
      %swap3A_59 = arith.constant 0 : index
      %swap3A_60 = arith.constant 0 : index
      %swap3A_61 = vector.load %arg9[%swap3A_59, %swap3A_60] : memref<1x8xf32, #tpu.memory_space<vmem>>, vector<1x8xf32>
      tpu.vector_store %arg9[%swap3A_59, %swap3A_60], %broadcast_in_dim3A_58 {strides = array<i32>} : memref<1x8xf32, #tpu.memory_space<vmem>>, vector<1x8xf32>,
    } else {
    }
    %get3A_48 = arith.constant 0 : index
    %get3A_49 = arith.constant 0 : index
    %get3A_50 = vector.load %arg9[%get3A_48, %get3A_49] : memref<1x8xf32, #tpu.memory_space<vmem>>, vector<1x8xf32>
    %reduce_sum3A = arith.constant dense<0.000000e+00> : vector<8xf32>
    %reduce_sum3A_51 = vector.multi_reduction <add>, %select_n3A, %reduce_sum3A [0] : vector<3200x8xf32> to vector<8xf32>
    %broadcast_in_dim3A_52 = vector.shape_cast %reduce_sum3A_51 : vector<8xf32> to vector<1x8xf32>
    %add3A_53 = arith.addf %get3A_50, %broadcast_in_dim3A_52 : vector<1x8xf32>
    %swap3A_54 = arith.constant 0 : index
    %swap3A_55 = arith.constant 0 : index
    %swap3A_56 = vector.load %arg9[%swap3A_54, %swap3A_55] : memref<1x8xf32, #tpu.memory_space<vmem>>, vector<1x8xf32>
    tpu.vector_store %arg9[%swap3A_54, %swap3A_55], %add3A_53 {strides = array<i32>} : memref<1x8xf32, #tpu.memory_space<vmem>>, vector<1x8xf32>,
    return
  }
  func.func @transform_0(%arg0: i32) -> (i32, i32) {
    %c0_i32 = arith.constant 0 : i32
    %c0_i32_0 = arith.constant 0 : i32
    return %arg0, %c0_i32 : i32, i32
  }
  func.func @transform_1(%arg0: i32) -> (i32, i32, i32) {
    %c0_i32 = arith.constant 0 : i32
    %c0_i32_0 = arith.constant 0 : i32
    %c0_i32_1 = arith.constant 0 : i32
    return %c0_i32, %arg0, %c0_i32_0 : i32, i32, i32
  }
  func.func @transform_2(%arg0: i32) -> (i32, i32) {
    %c0_i32 = arith.constant 0 : i32
    %c0_i32_0 = arith.constant 0 : i32
    %c0_i32_1 = arith.constant 0 : i32
    return %c0_i32, %c0_i32_0 : i32, i32
  }
  func.func @transform_3(%arg0: i32) -> (i32, i32) {
    %c0_i32 = arith.constant 0 : i32
    %c0_i32_0 = arith.constant 0 : i32
    %c0_i32_1 = arith.constant 0 : i32
    return %c0_i32, %c0_i32_0 : i32, i32
  }
  func.func @transform_4(%arg0: i32) -> (i32, i32) {
    %c0_i32 = arith.constant 0 : i32
    %c0_i32_0 = arith.constant 0 : i32
    %c0_i32_1 = arith.constant 0 : i32
    return %c0_i32, %c0_i32_0 : i32, i32
  }
  func.func @transform_5(%arg0: i32) -> (i32, i32) {
    %c0_i32 = arith.constant 0 : i32
    %c0_i32_0 = arith.constant 0 : i32
    %c0_i32_1 = arith.constant 0 : i32
    return %c0_i32, %c0_i32_0 : i32, i32
  }
  func.func @transform_6(%arg0: i32) -> (i32, i32) {
    %c0_i32 = arith.constant 0 : i32
    %c0_i32_0 = arith.constant 0 : i32
    %c0_i32_1 = arith.constant 0 : i32
    return %c0_i32, %c0_i32_0 : i32, i32
  }
  func.func @transform_7(%arg0: i32) -> (i32, i32) {
    %c0_i32 = arith.constant 0 : i32
    %c0_i32_0 = arith.constant 0 : i32
    return %arg0, %c0_i32 : i32, i32
  }
  func.func @transform_8(%arg0: i32) -> (i32, i32) {
    %c0_i32 = arith.constant 0 : i32
    %c0_i32_0 = arith.constant 0 : i32
    %c0_i32_1 = arith.constant 0 : i32
    return %c0_i32, %c0_i32_0 : i32, i32
  }
}

module attributes {stable_mosaic.version = 14 : i64} {
  func.func @_vertex_body(%arg0: i32, %arg1: memref<3200x8xf32, #tpu.memory_space<vmem>>, %arg2: memref<2x3200x8xf32, #tpu.memory_space<vmem>>, %arg3: memref<8x32xf32, #tpu.memory_space<vmem>>, %arg4: memref<8x32xf32, #tpu.memory_space<vmem>>, %arg5: memref<1x32xf32, #tpu.memory_space<vmem>>, %arg6: memref<32x8xf32, #tpu.memory_space<vmem>>, %arg7: memref<1x8xf32, #tpu.memory_space<vmem>>, %arg8: memref<3200x8xf32, #tpu.memory_space<vmem>>, %arg9: memref<1x8xf32, #tpu.memory_space<vmem>>) attributes {dimension_semantics = [#tpu.dimension_semantics<arbitrary>], iteration_bounds = array<i64: 16>, scalar_prefetch = 0 : i64, scratch_operands = 0 : i64, tpu.core_type = #tpu.core_type<tc>, window_params = [{transform_indices = @transform_0, window_bounds = array<i64: 3200, 8>}, {transform_indices = @transform_1, window_bounds = array<i64: 2, 3200, 8>}, {pipeline_mode = #tpu.pipeline_mode<synchronous>, transform_indices = @transform_2, window_bounds = array<i64: 8, 32>}, {pipeline_mode = #tpu.pipeline_mode<synchronous>, transform_indices = @transform_3, window_bounds = array<i64: 8, 32>}, {pipeline_mode = #tpu.pipeline_mode<synchronous>, transform_indices = @transform_4, window_bounds = array<i64: 1, 32>}, {pipeline_mode = #tpu.pipeline_mode<synchronous>, transform_indices = @transform_5, window_bounds = array<i64: 32, 8>}, {pipeline_mode = #tpu.pipeline_mode<synchronous>, transform_indices = @transform_6, window_bounds = array<i64: 1, 8>}, {transform_indices = @transform_7, window_bounds = array<i64: 3200, 8>}, {pipeline_mode = #tpu.pipeline_mode<synchronous>, transform_indices = @transform_8, window_bounds = array<i64: 1, 8>}]} {
    %get3A = arith.constant 0 : index
    %get3A_0 = arith.constant 0 : index
    %get3A_1 = vector.load %arg1[%get3A, %get3A_0] : memref<3200x8xf32, #tpu.memory_space<vmem>>, vector<3200x8xf32>
    %get3A_2 = arith.constant 0 : index
    %get3A_3 = arith.constant 0 : index
    %get3A_4 = arith.constant 0 : index
    %get3A_5 = vector.load %arg2[%get3A_2, %get3A_3, %get3A_4] : memref<2x3200x8xf32, #tpu.memory_space<vmem>>, vector<1x3200x8xf32>
    %get3A_6 = vector.shape_cast %get3A_5 : vector<1x3200x8xf32> to vector<3200x8xf32>
    %get3A_7 = arith.constant 1 : index
    %get3A_8 = arith.constant 0 : index
    %get3A_9 = arith.constant 0 : index
    %get3A_10 = vector.load %arg2[%get3A_7, %get3A_8, %get3A_9] : memref<2x3200x8xf32, #tpu.memory_space<vmem>>, vector<1x3200x8xf32>
    %get3A_11 = vector.shape_cast %get3A_10 : vector<1x3200x8xf32> to vector<3200x8xf32>
    %add3A = arith.addf %get3A_6, %get3A_11 : vector<3200x8xf32>
    %get3A_12 = arith.constant 0 : index
    %get3A_13 = arith.constant 0 : index
    %get3A_14 = vector.load %arg3[%get3A_12, %get3A_13] : memref<8x32xf32, #tpu.memory_space<vmem>>, vector<8x32xf32>
    %dot_general3A = arith.constant dense<0.000000e+00> : vector<3200x32xf32>
    %dot_general3A_15 = tpu.matmul %get3A_1, %get3A_14, %dot_general3A {dimension_numbers = #tpu.dot_dimension_numbers<[1], [0], [0], [1], [0, 0, 1, 1], [], []>, transpose_lhs_hint = false} : vector<3200x8xf32>, vector<8x32xf32>, vector<3200x32xf32> -> vector<3200x32xf32>
    %get3A_16 = arith.constant 0 : index
    %get3A_17 = arith.constant 0 : index
    %get3A_18 = vector.load %arg4[%get3A_16, %get3A_17] : memref<8x32xf32, #tpu.memory_space<vmem>>, vector<8x32xf32>
    %dot_general3A_19 = arith.constant dense<0.000000e+00> : vector<3200x32xf32>
    %dot_general3A_20 = tpu.matmul %add3A, %get3A_18, %dot_general3A_19 {dimension_numbers = #tpu.dot_dimension_numbers<[1], [0], [0], [1], [0, 0, 1, 1], [], []>, transpose_lhs_hint = false} : vector<3200x8xf32>, vector<8x32xf32>, vector<3200x32xf32> -> vector<3200x32xf32>
    %add3A_21 = arith.addf %dot_general3A_15, %dot_general3A_20 : vector<3200x32xf32>
    %get3A_22 = arith.constant 0 : index
    %get3A_23 = arith.constant 0 : index
    %get3A_24 = vector.load %arg5[%get3A_22, %get3A_23] : memref<1x32xf32, #tpu.memory_space<vmem>>, vector<1x32xf32>
    %add3A_25 = vector.broadcast %get3A_24 : vector<1x32xf32> to vector<3200x32xf32>
    %add3A_26 = arith.addf %add3A_21, %add3A_25 : vector<3200x32xf32>
    %max3A = arith.constant 0.000000e+00 : f32
    %max3A_27 = vector.broadcast %max3A : f32 to vector<3200x32xf32>
    %max3A_28 = arith.maximumf %add3A_26, %max3A_27 : vector<3200x32xf32>
    %get3A_29 = arith.constant 0 : index
    %get3A_30 = arith.constant 0 : index
    %get3A_31 = vector.load %arg6[%get3A_29, %get3A_30] : memref<32x8xf32, #tpu.memory_space<vmem>>, vector<32x8xf32>
    %dot_general3A_32 = arith.constant dense<0.000000e+00> : vector<3200x8xf32>
    %dot_general3A_33 = tpu.matmul %max3A_28, %get3A_31, %dot_general3A_32 {dimension_numbers = #tpu.dot_dimension_numbers<[1], [0], [0], [1], [0, 0, 1, 1], [], []>, transpose_lhs_hint = false} : vector<3200x32xf32>, vector<32x8xf32>, vector<3200x8xf32> -> vector<3200x8xf32>
    %get3A_34 = arith.constant 0 : index
    %get3A_35 = arith.constant 0 : index
    %get3A_36 = vector.load %arg7[%get3A_34, %get3A_35] : memref<1x8xf32, #tpu.memory_space<vmem>>, vector<1x8xf32>
    %add3A_37 = vector.broadcast %get3A_36 : vector<1x8xf32> to vector<3200x8xf32>
    %add3A_38 = arith.addf %dot_general3A_33, %add3A_37 : vector<3200x8xf32>
    %mul3A = arith.constant 3200 : i32
    %mul3A_39 = arith.muli %arg0, %mul3A : i32
    %iota3A = tpu.iota {dimensions = array<i32: 0>} : vector<3200x8xi32>
    %add3A_40 = vector.broadcast %mul3A_39 : i32 to vector<3200x8xi32>
    %add3A_41 = arith.addi %add3A_40, %iota3A : vector<3200x8xi32>
    %lt3A = arith.constant 50000 : i32
    %lt3A_42 = vector.broadcast %lt3A : i32 to vector<3200x8xi32>
    %lt3A_43 = arith.cmpi slt, %add3A_41, %lt3A_42 : vector<3200x8xi32>
    %jit3A = arith.constant 0.000000e+00 : f32
    %broadcast_in_dim3A = vector.broadcast %jit3A : f32 to vector<3200x8xf32>
    %select_n3A = arith.select %lt3A_43, %add3A_38, %broadcast_in_dim3A : vector<3200x8xi1>, vector<3200x8xf32>
    %swap3A = arith.constant 0 : index
    %swap3A_44 = arith.constant 0 : index
    %swap3A_45 = vector.load %arg8[%swap3A, %swap3A_44] : memref<3200x8xf32, #tpu.memory_space<vmem>>, vector<3200x8xf32>
    tpu.vector_store %arg8[%swap3A, %swap3A_44], %select_n3A {strides = array<i32>} : memref<3200x8xf32, #tpu.memory_space<vmem>>, vector<3200x8xf32>,
    %eq3A = arith.constant 0 : i32
    %eq3A_46 = arith.cmpi eq, %arg0, %eq3A : i32
    %convert_element_type3A = arith.extui %eq3A_46 : i1 to i32
    %cond3A = arith.constant 0 : i32
    %cond3A_47 = arith.cmpi ne, %convert_element_type3A, %cond3A : i32
    scf.if %cond3A_47 {
      %broadcast_in_dim3A_57 = arith.constant 0.000000e+00 : f32
      %broadcast_in_dim3A_58 = vector.broadcast %broadcast_in_dim3A_57 : f32 to vector<1x8xf32>
      %swap3A_59 = arith.constant 0 : index
      %swap3A_60 = arith.constant 0 : index
      %swap3A_61 = vector.load %arg9[%swap3A_59, %swap3A_60] : memref<1x8xf32, #tpu.memory_space<vmem>>, vector<1x8xf32>
      tpu.vector_store %arg9[%swap3A_59, %swap3A_60], %broadcast_in_dim3A_58 {strides = array<i32>} : memref<1x8xf32, #tpu.memory_space<vmem>>, vector<1x8xf32>,
    } else {
    }
    %get3A_48 = arith.constant 0 : index
    %get3A_49 = arith.constant 0 : index
    %get3A_50 = vector.load %arg9[%get3A_48, %get3A_49] : memref<1x8xf32, #tpu.memory_space<vmem>>, vector<1x8xf32>
    %reduce_sum3A = arith.constant dense<0.000000e+00> : vector<8xf32>
    %reduce_sum3A_51 = vector.multi_reduction <add>, %select_n3A, %reduce_sum3A [0] : vector<3200x8xf32> to vector<8xf32>
    %broadcast_in_dim3A_52 = vector.shape_cast %reduce_sum3A_51 : vector<8xf32> to vector<1x8xf32>
    %add3A_53 = arith.addf %get3A_50, %broadcast_in_dim3A_52 : vector<1x8xf32>
    %swap3A_54 = arith.constant 0 : index
    %swap3A_55 = arith.constant 0 : index
    %swap3A_56 = vector.load %arg9[%swap3A_54, %swap3A_55] : memref<1x8xf32, #tpu.memory_space<vmem>>, vector<1x8xf32>
    tpu.vector_store %arg9[%swap3A_54, %swap3A_55], %add3A_53 {strides = array<i32>} : memref<1x8xf32, #tpu.memory_space<vmem>>, vector<1x8xf32>,
    return
  }
  func.func @transform_0(%arg0: i32) -> (i32, i32) {
    %c0_i32 = arith.constant 0 : i32
    %c0_i32_0 = arith.constant 0 : i32
    return %arg0, %c0_i32 : i32, i32
  }
  func.func @transform_1(%arg0: i32) -> (i32, i32, i32) {
    %c0_i32 = arith.constant 0 : i32
    %c0_i32_0 = arith.constant 0 : i32
    %c0_i32_1 = arith.constant 0 : i32
    return %c0_i32, %arg0, %c0_i32_0 : i32, i32, i32
  }
  func.func @transform_2(%arg0: i32) -> (i32, i32) {
    %c0_i32 = arith.constant 0 : i32
    %c0_i32_0 = arith.constant 0 : i32
    %c0_i32_1 = arith.constant 0 : i32
    return %c0_i32, %c0_i32_0 : i32, i32
  }
  func.func @transform_3(%arg0: i32) -> (i32, i32) {
    %c0_i32 = arith.constant 0 : i32
    %c0_i32_0 = arith.constant 0 : i32
    %c0_i32_1 = arith.constant 0 : i32
    return %c0_i32, %c0_i32_0 : i32, i32
  }
  func.func @transform_4(%arg0: i32) -> (i32, i32) {
    %c0_i32 = arith.constant 0 : i32
    %c0_i32_0 = arith.constant 0 : i32
    %c0_i32_1 = arith.constant 0 : i32
    return %c0_i32, %c0_i32_0 : i32, i32
  }
  func.func @transform_5(%arg0: i32) -> (i32, i32) {
    %c0_i32 = arith.constant 0 : i32
    %c0_i32_0 = arith.constant 0 : i32
    %c0_i32_1 = arith.constant 0 : i32
    return %c0_i32, %c0_i32_0 : i32, i32
  }
  func.func @transform_6(%arg0: i32) -> (i32, i32) {
    %c0_i32 = arith.constant 0 : i32
    %c0_i32_0 = arith.constant 0 : i32
    %c0_i32_1 = arith.constant 0 : i32
    return %c0_i32, %c0_i32_0 : i32, i32
  }
  func.func @transform_7(%arg0: i32) -> (i32, i32) {
    %c0_i32 = arith.constant 0 : i32
    %c0_i32_0 = arith.constant 0 : i32
    return %arg0, %c0_i32 : i32, i32
  }
  func.func @transform_8(%arg0: i32) -> (i32, i32) {
    %c0_i32 = arith.constant 0 : i32
    %c0_i32_0 = arith.constant 0 : i32
    %c0_i32_1 = arith.constant 0 : i32
    return %c0_i32, %c0_i32_0 : i32, i32
  }
}

module attributes {stable_mosaic.version = 14 : i64} {
  func.func @_global_body(%arg0: memref<1x8xf32, #tpu.memory_space<vmem>>, %arg1: memref<8x32xf32, #tpu.memory_space<vmem>>, %arg2: memref<1x32xf32, #tpu.memory_space<vmem>>, %arg3: memref<32x1xf32, #tpu.memory_space<vmem>>, %arg4: memref<1x1xf32, #tpu.memory_space<vmem>>, %arg5: memref<1x1xf32, #tpu.memory_space<vmem>>) attributes {dimension_semantics = [], scalar_prefetch = 0 : i64, scratch_operands = 0 : i64, tpu.core_type = #tpu.core_type<tc>} {
    %get3A = arith.constant 0 : index
    %get3A_0 = arith.constant 0 : index
    %get3A_1 = vector.load %arg0[%get3A, %get3A_0] : memref<1x8xf32, #tpu.memory_space<vmem>>, vector<1x8xf32>
    %reduce_sum3A = arith.constant dense<0.000000e+00> : vector<8xf32>
    %reduce_sum3A_2 = vector.multi_reduction <add>, %get3A_1, %reduce_sum3A [0] : vector<1x8xf32> to vector<8xf32>
    %broadcast_in_dim3A = vector.shape_cast %reduce_sum3A_2 : vector<8xf32> to vector<1x8xf32>
    %mul3A = arith.constant 2.000000e-05 : f32
    %mul3A_3 = vector.broadcast %mul3A : f32 to vector<1x8xf32>
    %mul3A_4 = arith.mulf %broadcast_in_dim3A, %mul3A_3 : vector<1x8xf32>
    %get3A_5 = arith.constant 0 : index
    %get3A_6 = arith.constant 0 : index
    %get3A_7 = vector.load %arg1[%get3A_5, %get3A_6] : memref<8x32xf32, #tpu.memory_space<vmem>>, vector<8x32xf32>
    %dot_general3A = arith.constant dense<0.000000e+00> : vector<1x32xf32>
    %dot_general3A_8 = tpu.matmul %mul3A_4, %get3A_7, %dot_general3A {dimension_numbers = #tpu.dot_dimension_numbers<[1], [0], [0], [1], [0, 0, 1, 1], [], []>, transpose_lhs_hint = false} : vector<1x8xf32>, vector<8x32xf32>, vector<1x32xf32> -> vector<1x32xf32>
    %get3A_9 = arith.constant 0 : index
    %get3A_10 = arith.constant 0 : index
    %get3A_11 = vector.load %arg2[%get3A_9, %get3A_10] : memref<1x32xf32, #tpu.memory_space<vmem>>, vector<1x32xf32>
    %add3A = arith.addf %dot_general3A_8, %get3A_11 : vector<1x32xf32>
    %max3A = arith.constant 0.000000e+00 : f32
    %max3A_12 = vector.broadcast %max3A : f32 to vector<1x32xf32>
    %max3A_13 = arith.maximumf %add3A, %max3A_12 : vector<1x32xf32>
    %get3A_14 = arith.constant 0 : index
    %get3A_15 = arith.constant 0 : index
    %get3A_16 = vector.load %arg3[%get3A_14, %get3A_15] : memref<32x1xf32, #tpu.memory_space<vmem>>, vector<32x1xf32>
    %dot_general3A_17 = arith.constant dense<0.000000e+00> : vector<1x1xf32>
    %dot_general3A_18 = tpu.matmul %max3A_13, %get3A_16, %dot_general3A_17 {dimension_numbers = #tpu.dot_dimension_numbers<[1], [0], [0], [1], [0, 0, 1, 1], [], []>, transpose_lhs_hint = false} : vector<1x32xf32>, vector<32x1xf32>, vector<1x1xf32> -> vector<1x1xf32>
    %get3A_19 = arith.constant 0 : index
    %get3A_20 = arith.constant 0 : index
    %get3A_21 = vector.load %arg4[%get3A_19, %get3A_20] : memref<1x1xf32, #tpu.memory_space<vmem>>, vector<1x1xf32>
    %add3A_22 = arith.addf %dot_general3A_18, %get3A_21 : vector<1x1xf32>
    %logistic3A = arith.negf %add3A_22 : vector<1x1xf32>
    %logistic3A_23 = math.exp %logistic3A : vector<1x1xf32>
    %logistic3A_24 = arith.constant 1.000000e+00 : f32
    %logistic3A_25 = vector.broadcast %logistic3A_24 : f32 to vector<1x1xf32>
    %logistic3A_26 = arith.addf %logistic3A_25, %logistic3A_23 : vector<1x1xf32>
    %logistic3A_27 = arith.divf %logistic3A_25, %logistic3A_26 : vector<1x1xf32>
    %swap3A = arith.constant 0 : index
    %swap3A_28 = arith.constant 0 : index
    %swap3A_29 = vector.load %arg5[%swap3A, %swap3A_28] : memref<1x1xf32, #tpu.memory_space<vmem>>, vector<1x1xf32>
    tpu.vector_store %arg5[%swap3A, %swap3A_28], %logistic3A_27 {strides = array<i32>} : memref<1x1xf32, #tpu.memory_space<vmem>>, vector<1x1xf32>,
    return
  }
}

</mosaic_0001>

<sc_bundles>
// kernel: kernel.15.cloned.1.call-start
scs
__scs_entry_jumppad:
0x0: {  	(pc) =	sbr.rel $0x88, $3  }
0x1: {  	(tag) =	ssettag $0x0;
	lr =	simm.s32 $0x1  }
0x2: {  	[smem:$0x3F92] =	sst lr;
	_ =	strace $0xD0000000  }
0x3: {  	_ = 	snop  }
0x4: {  	_ = 	snop  }
0x5: {  	_ = 	snop  }
0x6: {  	_ = 	snop  }
0x7: {  	_ = 	snop  }
__scs_overlays_trampoline_lowered:
0x8: {  	[smem:$0x3FA1] =	sst s0  }
0x9: {  	[smem:$0x3FA2] =	sst s1  }
0xa: {  	[smem:$0x3FA3] =	sst s2  }
0xb: {  	[smem:$0x3FA4] =	sst s3  }
0xc: {  	[smem:$0x3FA5] =	sst s4  }
0xd: {  	[smem:$0x3FA6] =	sst s5  }
0xe: {  	[smem:$0x3FA7] =	sst s6  }
0xf: {  	[smem:$0x3FA8] =	sst s7  }
0x10: {  	[smem:$0x3FA9] =	sst s8  }
0x11: {  	[smem:$0x3FAA] =	sst s9;
	s0 =	simm.s32 @!p0 $0x0  }
0x12: {  	s1 =	sld [smem:$0x3F90];
	s0 =	simm.s32 @p0 $0x1  }
0x13: {  	[smem:$0x3FAB] =	sst s0;
	s0 =	simm.s32 @!p1 $0x0  }
0x14: {  	s2 =	sld [smem:$0x3F8F];
	s0 =	simm.s32 @p1 $0x1  }
0x15: {  	[smem:$0x3FAC] =	sst s0;
	s0 =	simm.s32 @!p2 $0x0  }
0x16: {  	s3 =	sld [smem:$0x3FDB];
	s0 =	simm.s32 @p2 $0x1  }
0x17: {  	s4 =	simm.s32 $0x1BF5;
	[smem:$0x3FAE] =	sst s0  }
0x18: {  	s0 =	sld [smem:$0x3F91];
	_ =	swait.ge [sflag:s4], $0x0  }
0x19: {  	s7 =	sld [smem:$0x3F92]  }
0x1a: {  	s8 =	sadd.s32 $0xFFFFE003, lr  }
0x1b: {  	s9 =	sadd.s32 $0xFFFFFEF7, lr;
	s5 =	simm.s32 $0xFFFFFFFF;
	p2 =	slt.u32 s8, $0xFFFFF086  }
0x1c: {  	p1 =	slt.u32 s9, $0xF7A;
	s5 =	simm.s32 @!p2 $0x0  }
0x1d: {  	s5 =	simm.s32 @p1 $0x1;
	p0 =	seq.s32 s7, s2  }
0x1e: {  	s7 =	smul.u32 @!p0 $0xF7A, s2;
	p2 =	seq.s32 @!p0 s5, $0x0  }
0x1f: {  	s9 =	smul.u32 $0xF7A, s1;
	s8 =	simm.s32 @!p0 $0x1BF5;
	p2 =	por !p2, p0  }
0x20: {  	[sflag:s8] =	ssyncset.s32 @!p0 $0xFFFFF086;
	s6 =	sadd.s32 @!p0 s3, s7;
	s7 =	simm.s32 @!p0 $0x108  }
0x21: {  	s3 =	sadd.s32 s3, s9;
	s6 =	sadd.s32 @!p0 $0x88, s6;
	s7 =	simm.s32 @p2 $0x1082  }
0x22: {  	[simem:s7], [sflag:s8] =	dma.local @!p0 [hbm:s6], $0xF7A  }
0x23: {  	s9 =	sor.u32 $0xD0000000, s2;
	s6 =	simm.s32 $0x108;
	_ =	swait.ge @!p0 [sflag:s8], $0x0  }
0x24: {  	s3 =	sadd.s32 $0x88, s3;
	s6 =	simm.s32 @!p1 $0x1082;
	[sflag:s4] =	ssyncset.s32 $0xFFFFF086  }
0x25: {  	[simem:s6], [sflag:s4] =	dma.local [hbm:s3], $0xF7A  }
0x26: {  	[smem:$0x3F92] =	sst s1;
	(tag) =	ssettag s2;
	_ =	strace s9  }
0x27: {  	s1 =	sld [smem:$0x3FA2]  }
0x28: {  	s2 =	sld [smem:$0x3FA3]  }
0x29: {  	s4 =	sld [smem:$0x3FA5]  }
0x2a: {  	p0 =	seq.s32 s5, $0x0;
	s5 =	sld [smem:$0x3FA6]  }
0x2b: {  	s6 =	sld [smem:$0x3FA7]  }
0x2c: {  	s7 =	sld [smem:$0x3FA8]  }
0x2d: {  	s3 =	simm.s32 $0x108;
	s8 =	sld [smem:$0x3FA9]  }
0x2e: {  	s3 =	simm.s32 @!p0 $0x1082;
	s9 =	sld [smem:$0x3FAA]  }
0x2f: {  	lr =	sadd.s32 s0, s3;
	s0 =	sld [smem:$0x3FA1]  }
0x30: {  	s3 =	sld [smem:$0x3FA4]  }
0x31: {  	[smem:$0x3FAD] =	sst s10  }
0x32: {  	s10 =	sld [smem:$0x3FAB];
	_ =	sdelay $0x3  }
0x33: {  	p0 =	seq.s32 s10, $0x1;
	s10 =	sld [smem:$0x3FAD];
	_ =	sdelay $0x3  }
0x34: {  	[smem:$0x3FAD] =	sst s10  }
0x35: {  	s10 =	sld [smem:$0x3FAC];
	_ =	sdelay $0x3  }
0x36: {  	p1 =	seq.s32 s10, $0x1;
	s10 =	sld [smem:$0x3FAD];
	_ =	sdelay $0x3  }
0x37: {  	[smem:$0x3FAD] =	sst s10  }
0x38: {  	s10 =	sld [smem:$0x3FAE]  }
0x39: {  	_ = 	snop;
	(pc) =	sbr.ind lr, $3  }
0x3a: {  	_ = 	snop  }
0x3b: {  	_ = 	snop  }
0x3c: {  	p2 =	seq.s32 s10, $0x1;
	s10 =	sld [smem:$0x3FAD]  }
0x3d: {  	_ =	shalt  }
0x3e: {  	_ =	shalt  }
0x3f: {  	_ =	shalt  }
0x40: {  	_ =	shalt  }
0x41: {  	_ =	shalt  }
0x42: {  	_ =	shalt  }
0x43: {  	_ =	shalt  }
0x44: {  	_ =	shalt  }
0x45: {  	_ =	shalt  }
0x46: {  	_ =	shalt  }
0x47: {  	_ =	shalt  }
0x48: {  	_ =	shalt  }
0x49: {  	_ =	shalt  }
0x4a: {  	_ =	shalt  }
0x4b: {  	_ =	shalt  }
0x4c: {  	_ =	shalt  }
0x4d: {  	_ =	shalt  }
0x4e: {  	_ =	shalt  }
0x4f: {  	_ =	shalt  }
0x50: {  	_ =	shalt  }
0x51: {  	_ =	shalt  }
0x52: {  	_ =	shalt  }
0x53: {  	_ =	shalt  }
0x54: {  	_ =	shalt  }
0x55: {  	_ =	shalt  }
0x56: {  	_ =	shalt  }
0x57: {  	_ =	shalt  }
0x58: {  	_ =	shalt  }
0x59: {  	_ =	shalt  }
0x5a: {  	_ =	shalt  }
0x5b: {  	_ =	shalt  }
0x5c: {  	_ =	shalt  }
0x5d: {  	_ =	shalt  }
0x5e: {  	_ =	shalt  }
0x5f: {  	_ =	shalt  }
0x60: {  	_ =	shalt  }
0x61: {  	_ =	shalt  }
0x62: {  	_ =	shalt  }
0x63: {  	_ =	shalt  }
0x64: {  	_ =	shalt  }
0x65: {  	_ =	shalt  }
0x66: {  	_ =	shalt  }
0x67: {  	_ =	shalt  }
0x68: {  	_ =	shalt  }
0x69: {  	_ =	shalt  }
0x6a: {  	_ =	shalt  }
0x6b: {  	_ =	shalt  }
0x6c: {  	_ =	shalt  }
0x6d: {  	_ =	shalt  }
0x6e: {  	_ =	shalt  }
0x6f: {  	_ =	shalt  }
0x70: {  	_ =	shalt  }
0x71: {  	_ =	shalt  }
0x72: {  	_ =	shalt  }
0x73: {  	_ =	shalt  }
0x74: {  	_ =	shalt  }
0x75: {  	_ =	shalt  }
0x76: {  	_ =	shalt  }
0x77: {  	_ =	shalt  }
0x78: {  	_ =	shalt  }
0x79: {  	_ =	shalt  }
0x7a: {  	_ =	shalt  }
0x7b: {  	_ =	shalt  }
0x7c: {  	_ =	shalt  }
0x7d: {  	_ =	shalt  }
0x7e: {  	_ =	shalt  }
0x7f: {  	_ =	shalt  }
0x80: {  	_ =	shalt  }
0x81: {  	_ =	shalt  }
0x82: {  	_ =	shalt  }
0x83: {  	_ =	shalt  }
0x84: {  	_ =	shalt  }
0x85: {  	_ =	shalt  }
0x86: {  	_ =	shalt  }
0x87: {  	_ =	shalt  }
.Lfunc_end0:
.L_simem_size_0:
called_computation_lowered:
.L_overlay_start_0:
0x88: {  	s2 =	sld [smem:$0x3FD9]  }
0x89: {  	s3 =	sld [smem:$0x3FFE];
	_ =	sdelay $0x1  }
0x8a: {  	s1 =	srdreg.scid  }
0x8b: {  	s0 =	sand.u32 $0x1, s1  }
0x8c: {  	s16 =	sshll.u32 s0, $0xA;
	s2 =	sadd.s32 s3, s2  }
0x8d: {  	s2 =	sadd.s32 s2, s16  }
0x8e: {  	[smem:$0x3FB9] =	sst s2  }
0x8f: {  	_ = 	snop  }
0x90: {  	(tm) =	ssettm $0x1  }
0x91: {  	s17 =	sld [smem:$0x3FFB];
	_ =	sdelay $0x3  }
0x92: {  	_ =	strace s17  }
0x93: {  	s2 =	sld [smem:$0x3FFC];
	_ =	sdelay $0x3  }
0x94: {  	_ =	strace s2  }
0x95: {  	s2 =	sld [smem:$0x3FFD];
	_ =	sdelay $0x3  }
0x96: {  	_ =	strace s2  }
0x97: {  	_ =	strace $0x8FFFFFFF  }
0x98: {  	s18 =	sld [smem:$0x3FDB];
	_ =	sdelay $0x1  }
0x99: {  	s19 =	simm.s32 $_scs_section_size  }
0x9a: {  	s4 =	simm.s32 $_size__tile_overlayer_lowered;
	s5 =	simm.s32 $_tile_overlayer_lowered  }
0x9b: {  	s22 =	simm.s32 $0x1BFF;
	s21 =	sshll.u32 s5, $0x1;
	s2 =	sadd.s32 s19, s18  }
0x9c: {  	s6 =	simm.s32 $0x0;
	s20 =	sshll.u32 s4, $0x1;
	s4 =	sadd.s32 s21, s2  }
0x9d: {  	[timem:s6], [sflag:s22] =	dma.local [hbm:s4], s20  }
0x9e: {  	_ =	swait.ge [sflag:s22], s20  }
0x9f: {  	s3 =	ssub.s32 $0x0, s20;
	[sflag:s22] =	ssyncset.done $0x0  }
0xa0: {  	[sflag:s22] =	ssyncadd.s32 s3;
	_ =	sdelay $0x1  }
0xa1: {  	s23 =	simm.s32 $0x1B8B  }
0xa2: {  	_ =	swait.ge [sflag:s23], $0x1  }
0xa3: {  	[sflag:s23] =	ssyncset.done $0x0  }
0xa4: {  	s25 =	simm.s32 $0x1B8E;
	s24 =	sld [smem:$0x3FFE];
	[sflag:s23] =	ssyncadd.s32 $0xFFFFFFFF  }
0xa5: {  	s26 =	simm.s32 $execute0_lowered;
	[smem:$0x3FD2] =	sst s25  }
0xa6: {  	s4 =	sshll.u32 s26, $0x1;
	_ =	strace $0x80000046;
	[dreg:$0x1] =	wrdreg $0xFFFFFFFF  }
0xa7: {  	s28 =	simm.s32 $_size_execute0_lowered;
	s2 =	sadd.s32 s2, s4;
	[dreg:$0x0] =	wrdreg $0x0  }
0xa8: {  	s4 =	sshll.u32 s28, $0x1;
	[dreg:$0x2] =	wrdreg s2  }
0xa9: {  	[dreg:$0x3] =	wrdreg s4  }
0xaa: {  	[dreg:$0x4] =	wrdreg $0xC0  }
0xab: {  	_ =	task [dreg:s6], $0x5FFFF  }
0xac: {  	[dreg:$0x1] =	wrdreg $0xFFFFFFFF  }
0xad: {  	[dreg:$0x0] =	wrdreg $0x60  }
0xae: {  	[dreg:$0x2] =	wrdreg s24  }
0xaf: {  	[dreg:$0x3] =	wrdreg $0x9  }
0xb0: {  	_ =	task.clear_ibuf [dreg:s6], $0x4FFFF;
	_ =	strace $0x90000046  }
0xb1: {  	s29 =	simm.s32 $0x9;
	_ =	strace $0x80000048  }
0xb2: {  	_ =	swait.ge [sflag:s29], $0x1  }
0xb3: {  	[sflag:s29] =	ssyncadd.s32 $0xFFFFFFFF  }
0xb4: {  	_ =	strace $0x90000048  }
0xb5: {  	_ =	sfence  }
0xb6: {  	s30 =	sld [smem:$0x0];
	_ =	sdelay $0x2  }
0xb7: {  	s31 =	sshll.u32 s1, $0xD;
	s1 =	sshrl.u32 s1, $0x2  }
0xb8: {  	s3 =	sand.u32 $0x4000, s31;
	s1 =	sadd.s32 s1, s30  }
0xb9: {  	s0 =	sor.u32 s3, s0;
	s1 =	sshll.u32 s1, $0x11  }
0xba: {  	s0 =	sor.u32 s1, s0  }
0xbb: {  	s0 =	sadd.s32 $0x8F2B, s0  }
0xbc: {  	[sflag:s0] =	ssyncadd.remote.s32 $0x1  }
0xbd: {  	_ =	sfence.sel $0xFFFF  }
0xbe: {  	[dreg:$0x0] =	wrdreg $0xFFFFFFFF;
	(pc) =	sbr.abs _section_cstart, $3  }
0xbf: {  	[dreg:$0x1] =	wrdreg $0xFFFFFFFF  }
0xc0: {  	_ =	task.clear_ibuf [dreg:s6], $0x2FFFF;
	_ =	strace $0x9FFFFFFF  }
0xc1: {  	(tm) =	ssettm $0x7FFFFFFF  }
tec
execute0_lowered:
.L_overlay_start_1:
0x0: {  	(tag) =	ssettag $0x1  }
0x1: {  	s1 =	srdreg.scid  }
0x2: {  	s0 =	stileid.u32;
	s4 =	rddreg [dreg:$0x0];
	s2 =	simm.s32 $0x0  }
0x3: {  	s9 =	simm.s32 $0x1;
	s3 =	sand.u32 $0x1, s1;
	s5 =	smul.u32 $0x30D40, s0  }
0x4: {  	s10 =	simm.s32 $0x0;
	[smem:$0x7FF] =	sst s2;
	s6 =	smul.u32 $0x186A0, s3  }
0x5: {  	s1 =	rddreg [dreg:$0x1];
	s7 =	ssub.s32 $0x2, s3;
	_ =	strace $0x80000047  }
0x6: {  	s3 =	sadd.s32 $0xCF400, s4;
	s30 =	sshrl.u32 s7, $0x1;
	s5 =	sadd.s32 s6, s5  }
0x7: {  	s6 =	ssub.s32 s7, s30;
	s7 =	simm.s32 $0x2;
	s8 =	sshrl.u32 s5, $0x3  }
0x8: {  	s5 =	sadd.s32 s5, s4;
	s31 =	sadd.s32 s8, s4;
	s4 =	smax.u32 s6, $0x1  }
0x9: {  	s5 =	sadd.s32 $0xDBC00, s5;
	s8 =	simm.s32 $0x7D0;
	s6 =	sadd.s32 $0x1871400, s31  }
.LBB2_1:
0xa: {  	s11 =	sadd.s32 $0x0, s6  }
0xb: {  	[tilespmem:s2], [sflag:$0x2] =	stream.linear.gather [hbm4b:s11+s2], $0x7D0, $0x38;
	[tilespmem:$0x4650] =	vst v63  }
0xc: {  	_ =	swait.ge [sflag:s7], $0x7D0  }
0xd: {  	[sflag:s7] =	ssyncset.done $0x0  }
0xe: {  	[sflag:s7] =	ssyncadd.s32 $0xFFFFF830  }
0xf: {  	[tilespmem:s8], [sflag:$0x1] =	stream.indirect.gather [hbm4b:s3+s8], $0x8, s2, s8, $0xb8;
	[tilespmem:$0x4650] =	vst v63  }
0x10: {  	_ =	swait.ge [sflag:s9], $0x3E80  }
0x11: {  	[sflag:s9] =	ssyncset.done $0x0  }
0x12: {  	[sflag:s9] =	ssyncadd.s32 $0xFFFFC180  }
0x13: {  	[hbm4b:s5+s2] =	stream.linear.scatter [tilespmem:s8], [sflag:$0x2], $0x3E80, $0x38;
	[tilespmem:$0x4650] =	vst v63  }
0x14: {  	s12 =	simm.s32 $0xFA;
	_ =	swait.ge [sflag:s7], $0x3E80  }
0x15: {  	s13 =	simm.s32 $0x1F4;
	s11 =	sadd.s32 $0x7D0, s5;
	[sflag:s7] =	ssyncset.done $0x0  }
.LBB2_2:
0x16: {  	s14 =	sadd.s32 s12, s6  }
0x17: {  	[sflag:s7] =	ssyncadd.s32 $0xFFFFC180;
	s12 =	smov.u32 s13;
	s15 =	sadd.s32 $0xFA, s13  }
0x18: {  	[tilespmem:s2], [sflag:$0x2] =	stream.linear.gather [hbm4b:s14+s2], $0x7D0, $0x38;
	[tilespmem:$0x4650] =	vst v63  }
0x19: {  	p0 =	sne.s32 s13, $0x2FDA;
	_ =	swait.ge [sflag:s7], $0x7D0  }
0x1a: {  	[sflag:s7] =	ssyncset.done $0x0  }
0x1b: {  	[sflag:s7] =	ssyncadd.s32 $0xFFFFF830  }
0x1c: {  	[tilespmem:s8], [sflag:$0x1] =	stream.indirect.gather [hbm4b:s3+s8], $0x8, s2, s8, $0xb8;
	[tilespmem:$0x4650] =	vst v63  }
0x1d: {  	_ =	swait.ge [sflag:s9], $0x3E80  }
.Ltmp0:
0x1e: {  	[sflag:s9] =	ssyncset.done $0x0;
	(pc) =	sbr.rel @p0 .LBB2_2-.Ltmp0, $4  }
0x1f: {  	[sflag:s9] =	ssyncadd.s32 $0xFFFFC180  }
0x20: {  	[hbm4b:s11+s2] =	stream.linear.scatter [tilespmem:s8], [sflag:$0x2], $0x3E80, $0x38;
	[tilespmem:$0x4650] =	vst v63  }
0x21: {  	_ =	swait.ge [sflag:s7], $0x3E80  }
0x22: {  	s13 =	smov.u32 s15;
	s11 =	sadd.s32 $0x7D0, s11;
	[sflag:s7] =	ssyncset.done $0x0  }
0x23: {  	s12 =	sadd.s32 s12, s6;
	[sflag:s7] =	ssyncadd.s32 $0xFFFFC180  }
0x24: {  	[tilespmem:s2], [sflag:$0x2] =	stream.linear.gather [hbm4b:s12+s2], $0x7D0, $0x38;
	[tilespmem:$0x4650] =	vst v63  }
0x25: {  	_ =	swait.ge [sflag:s7], $0x7D0  }
0x26: {  	[sflag:s7] =	ssyncset.done $0x0  }
0x27: {  	[sflag:s7] =	ssyncadd.s32 $0xFFFFF830  }
0x28: {  	[tilespmem:s8], [sflag:$0x1] =	stream.indirect.gather [hbm4b:s3+s8], $0x8, s2, s8, $0xb8;
	[tilespmem:$0x4650] =	vst v63  }
0x29: {  	s10 =	sadd.s32 $0x1, s10;
	_ =	swait.ge [sflag:s9], $0x3E80  }
0x2a: {  	p0 =	sne.s32 s10, s4;
	[sflag:s9] =	ssyncset.done $0x0  }
.Ltmp1:
0x2b: {  	[sflag:s9] =	ssyncadd.s32 $0xFFFFC180;
	(pc) =	sbr.rel @p0 .LBB2_1-.Ltmp1, $4  }
0x2c: {  	[hbm4b:s11+s2] =	stream.linear.scatter [tilespmem:s8], [sflag:$0x2], $0x3E80, $0x38;
	[tilespmem:$0x4650] =	vst v63  }
0x2d: {  	_ =	swait.ge [sflag:s7], $0x3E80  }
0x2e: {  	[sflag:s7] =	ssyncset.done $0x0  }
0x2f: {  	[sflag:s7] =	ssyncadd.s32 $0xFFFFC180  }
0x30: {  	_ =	sfence.sel $0x180000  }
0x31: {  	[bflag:$0x0] =	sbarrier.arrive $0xFFFF  }
0x32: {  	p0 =	sne.s32 s0, $0x0;
	_ =	strace $0x90000047  }
0x33: {  	s0 =	sadd.s32 @!p0 $0x100000, s1;
	[bflag:$0x2] =	sbarrier.arrive $0xFFFF  }
0x34: {  	[sflag:s0] =	ssyncadd.tile.s32 @!p0 $0x1;
	_ =	shalt  }
.Lfunc_end2:
_tile_overlayer_lowered:
.L_overlay_start_2:
0x35: {  	(tag) =	ssettag $0x2  }
0x36: {  	s0 =	rddreg [dreg:$0x0];
	s2 =	stileid.u32  }
0x37: {  	s1 =	rddreg [dreg:$0x1];
	p0 =	sne.s32 s2, $0x0  }
0x38: {  	s3 =	rddreg [dreg:$0x2];
	[bflag:$0x3] =	sbarrier.arrive $0xFFFF;
	s2 =	simm.s32 @!p0 $0x1C02  }
0x39: {  	[timem:s3], [sflag:s2] =	dma.local @!p0 [hbm:s0], s1  }
0x3a: {  	s0 =	simm.s32 @!p0 $0x2  }
0x3b: {  	_ =	swait.ge @!p0 [sflag:s0], s1  }
0x3c: {  	s1 =	ssub.s32 @!p0 $0x0, s1;
	[sflag:s0] =	ssyncset.done @!p0 $0x0  }
0x3d: {  	[sflag:s0] =	ssyncadd.s32 @!p0 s1  }
0x3e: {  	[bflag:$0x3] =	sbarrier.arrive $0xFFFF  }
0x3f: {  	_ =	shalt  }

// kernel: kernel.18.cloned.1.call-start
scs
__scs_entry_jumppad:
0x0: {  	(pc) =	sbr.rel $0x88, $3  }
0x1: {  	(tag) =	ssettag $0x0;
	lr =	simm.s32 $0x1  }
0x2: {  	[smem:$0x3F92] =	sst lr;
	_ =	strace $0xD0000000  }
0x3: {  	_ = 	snop  }
0x4: {  	_ = 	snop  }
0x5: {  	_ = 	snop  }
0x6: {  	_ = 	snop  }
0x7: {  	_ = 	snop  }
__scs_overlays_trampoline_lowered:
0x8: {  	[smem:$0x3FA1] =	sst s0  }
0x9: {  	[smem:$0x3FA2] =	sst s1  }
0xa: {  	[smem:$0x3FA3] =	sst s2  }
0xb: {  	[smem:$0x3FA4] =	sst s3  }
0xc: {  	[smem:$0x3FA5] =	sst s4  }
0xd: {  	[smem:$0x3FA6] =	sst s5  }
0xe: {  	[smem:$0x3FA7] =	sst s6  }
0xf: {  	[smem:$0x3FA8] =	sst s7  }
0x10: {  	[smem:$0x3FA9] =	sst s8  }
0x11: {  	[smem:$0x3FAA] =	sst s9;
	s0 =	simm.s32 @!p0 $0x0  }
0x12: {  	s1 =	sld [smem:$0x3F90];
	s0 =	simm.s32 @p0 $0x1  }
0x13: {  	[smem:$0x3FAB] =	sst s0;
	s0 =	simm.s32 @!p1 $0x0  }
0x14: {  	s2 =	sld [smem:$0x3F8F];
	s0 =	simm.s32 @p1 $0x1  }
0x15: {  	[smem:$0x3FAC] =	sst s0;
	s0 =	simm.s32 @!p2 $0x0  }
0x16: {  	s3 =	sld [smem:$0x3FDB];
	s0 =	simm.s32 @p2 $0x1  }
0x17: {  	s4 =	simm.s32 $0x1BF5;
	[smem:$0x3FAE] =	sst s0  }
0x18: {  	s0 =	sld [smem:$0x3F91];
	_ =	swait.ge [sflag:s4], $0x0  }
0x19: {  	s7 =	sld [smem:$0x3F92]  }
0x1a: {  	s8 =	sadd.s32 $0xFFFFE003, lr  }
0x1b: {  	s9 =	sadd.s32 $0xFFFFFEF7, lr;
	s5 =	simm.s32 $0xFFFFFFFF;
	p2 =	slt.u32 s8, $0xFFFFF086  }
0x1c: {  	p1 =	slt.u32 s9, $0xF7A;
	s5 =	simm.s32 @!p2 $0x0  }
0x1d: {  	s5 =	simm.s32 @p1 $0x1;
	p0 =	seq.s32 s7, s2  }
0x1e: {  	s7 =	smul.u32 @!p0 $0xF7A, s2;
	p2 =	seq.s32 @!p0 s5, $0x0  }
0x1f: {  	s9 =	smul.u32 $0xF7A, s1;
	s8 =	simm.s32 @!p0 $0x1BF5;
	p2 =	por !p2, p0  }
0x20: {  	[sflag:s8] =	ssyncset.s32 @!p0 $0xFFFFF086;
	s6 =	sadd.s32 @!p0 s3, s7;
	s7 =	simm.s32 @!p0 $0x108  }
0x21: {  	s3 =	sadd.s32 s3, s9;
	s6 =	sadd.s32 @!p0 $0x88, s6;
	s7 =	simm.s32 @p2 $0x1082  }
0x22: {  	[simem:s7], [sflag:s8] =	dma.local @!p0 [hbm:s6], $0xF7A  }
0x23: {  	s9 =	sor.u32 $0xD0000000, s2;
	s6 =	simm.s32 $0x108;
	_ =	swait.ge @!p0 [sflag:s8], $0x0  }
0x24: {  	s3 =	sadd.s32 $0x88, s3;
	s6 =	simm.s32 @!p1 $0x1082;
	[sflag:s4] =	ssyncset.s32 $0xFFFFF086  }
0x25: {  	[simem:s6], [sflag:s4] =	dma.local [hbm:s3], $0xF7A  }
0x26: {  	[smem:$0x3F92] =	sst s1;
	(tag) =	ssettag s2;
	_ =	strace s9  }
0x27: {  	s1 =	sld [smem:$0x3FA2]  }
0x28: {  	s2 =	sld [smem:$0x3FA3]  }
0x29: {  	s4 =	sld [smem:$0x3FA5]  }
0x2a: {  	p0 =	seq.s32 s5, $0x0;
	s5 =	sld [smem:$0x3FA6]  }
0x2b: {  	s6 =	sld [smem:$0x3FA7]  }
0x2c: {  	s7 =	sld [smem:$0x3FA8]  }
0x2d: {  	s3 =	simm.s32 $0x108;
	s8 =	sld [smem:$0x3FA9]  }
0x2e: {  	s3 =	simm.s32 @!p0 $0x1082;
	s9 =	sld [smem:$0x3FAA]  }
0x2f: {  	lr =	sadd.s32 s0, s3;
	s0 =	sld [smem:$0x3FA1]  }
0x30: {  	s3 =	sld [smem:$0x3FA4]  }
0x31: {  	[smem:$0x3FAD] =	sst s10  }
0x32: {  	s10 =	sld [smem:$0x3FAB];
	_ =	sdelay $0x3  }
0x33: {  	p0 =	seq.s32 s10, $0x1;
	s10 =	sld [smem:$0x3FAD];
	_ =	sdelay $0x3  }
0x34: {  	[smem:$0x3FAD] =	sst s10  }
0x35: {  	s10 =	sld [smem:$0x3FAC];
	_ =	sdelay $0x3  }
0x36: {  	p1 =	seq.s32 s10, $0x1;
	s10 =	sld [smem:$0x3FAD];
	_ =	sdelay $0x3  }
0x37: {  	[smem:$0x3FAD] =	sst s10  }
0x38: {  	s10 =	sld [smem:$0x3FAE]  }
0x39: {  	_ = 	snop;
	(pc) =	sbr.ind lr, $3  }
0x3a: {  	_ = 	snop  }
0x3b: {  	_ = 	snop  }
0x3c: {  	p2 =	seq.s32 s10, $0x1;
	s10 =	sld [smem:$0x3FAD]  }
0x3d: {  	_ =	shalt  }
0x3e: {  	_ =	shalt  }
0x3f: {  	_ =	shalt  }
0x40: {  	_ =	shalt  }
0x41: {  	_ =	shalt  }
0x42: {  	_ =	shalt  }
0x43: {  	_ =	shalt  }
0x44: {  	_ =	shalt  }
0x45: {  	_ =	shalt  }
0x46: {  	_ =	shalt  }
0x47: {  	_ =	shalt  }
0x48: {  	_ =	shalt  }
0x49: {  	_ =	shalt  }
0x4a: {  	_ =	shalt  }
0x4b: {  	_ =	shalt  }
0x4c: {  	_ =	shalt  }
0x4d: {  	_ =	shalt  }
0x4e: {  	_ =	shalt  }
0x4f: {  	_ =	shalt  }
0x50: {  	_ =	shalt  }
0x51: {  	_ =	shalt  }
0x52: {  	_ =	shalt  }
0x53: {  	_ =	shalt  }
0x54: {  	_ =	shalt  }
0x55: {  	_ =	shalt  }
0x56: {  	_ =	shalt  }
0x57: {  	_ =	shalt  }
0x58: {  	_ =	shalt  }
0x59: {  	_ =	shalt  }
0x5a: {  	_ =	shalt  }
0x5b: {  	_ =	shalt  }
0x5c: {  	_ =	shalt  }
0x5d: {  	_ =	shalt  }
0x5e: {  	_ =	shalt  }
0x5f: {  	_ =	shalt  }
0x60: {  	_ =	shalt  }
0x61: {  	_ =	shalt  }
0x62: {  	_ =	shalt  }
0x63: {  	_ =	shalt  }
0x64: {  	_ =	shalt  }
0x65: {  	_ =	shalt  }
0x66: {  	_ =	shalt  }
0x67: {  	_ =	shalt  }
0x68: {  	_ =	shalt  }
0x69: {  	_ =	shalt  }
0x6a: {  	_ =	shalt  }
0x6b: {  	_ =	shalt  }
0x6c: {  	_ =	shalt  }
0x6d: {  	_ =	shalt  }
0x6e: {  	_ =	shalt  }
0x6f: {  	_ =	shalt  }
0x70: {  	_ =	shalt  }
0x71: {  	_ =	shalt  }
0x72: {  	_ =	shalt  }
0x73: {  	_ =	shalt  }
0x74: {  	_ =	shalt  }
0x75: {  	_ =	shalt  }
0x76: {  	_ =	shalt  }
0x77: {  	_ =	shalt  }
0x78: {  	_ =	shalt  }
0x79: {  	_ =	shalt  }
0x7a: {  	_ =	shalt  }
0x7b: {  	_ =	shalt  }
0x7c: {  	_ =	shalt  }
0x7d: {  	_ =	shalt  }
0x7e: {  	_ =	shalt  }
0x7f: {  	_ =	shalt  }
0x80: {  	_ =	shalt  }
0x81: {  	_ =	shalt  }
0x82: {  	_ =	shalt  }
0x83: {  	_ =	shalt  }
0x84: {  	_ =	shalt  }
0x85: {  	_ =	shalt  }
0x86: {  	_ =	shalt  }
0x87: {  	_ =	shalt  }
.Lfunc_end0:
.L_simem_size_0:
called_computation.1_lowered:
.L_overlay_start_0:
0x88: {  	s2 =	sld [smem:$0x3FD9]  }
0x89: {  	s3 =	sld [smem:$0x3FFE];
	_ =	sdelay $0x1  }
0x8a: {  	s1 =	srdreg.scid  }
0x8b: {  	s0 =	sand.u32 $0x1, s1  }
0x8c: {  	s16 =	sshll.u32 s0, $0xA;
	s2 =	sadd.s32 s3, s2  }
0x8d: {  	s2 =	sadd.s32 s2, s16  }
0x8e: {  	[smem:$0x3FB9] =	sst s2  }
0x8f: {  	_ = 	snop  }
0x90: {  	(tm) =	ssettm $0x1  }
0x91: {  	s17 =	sld [smem:$0x3FFB];
	_ =	sdelay $0x3  }
0x92: {  	_ =	strace s17  }
0x93: {  	s2 =	sld [smem:$0x3FFC];
	_ =	sdelay $0x3  }
0x94: {  	_ =	strace s2  }
0x95: {  	s2 =	sld [smem:$0x3FFD];
	_ =	sdelay $0x3  }
0x96: {  	_ =	strace s2  }
0x97: {  	_ =	strace $0x8FFFFFFF  }
0x98: {  	s18 =	sld [smem:$0x3FDB];
	_ =	sdelay $0x1  }
0x99: {  	s19 =	simm.s32 $_scs_section_size  }
0x9a: {  	s4 =	simm.s32 $_size__tile_overlayer_lowered;
	s5 =	simm.s32 $_tile_overlayer_lowered  }
0x9b: {  	s22 =	simm.s32 $0x1BFF;
	s21 =	sshll.u32 s5, $0x1;
	s2 =	sadd.s32 s19, s18  }
0x9c: {  	s6 =	simm.s32 $0x0;
	s20 =	sshll.u32 s4, $0x1;
	s4 =	sadd.s32 s21, s2  }
0x9d: {  	[timem:s6], [sflag:s22] =	dma.local [hbm:s4], s20  }
0x9e: {  	_ =	swait.ge [sflag:s22], s20  }
0x9f: {  	s3 =	ssub.s32 $0x0, s20;
	[sflag:s22] =	ssyncset.done $0x0  }
0xa0: {  	[sflag:s22] =	ssyncadd.s32 s3;
	_ =	sdelay $0x1  }
0xa1: {  	s23 =	simm.s32 $0x1B8B  }
0xa2: {  	_ =	swait.ge [sflag:s23], $0x1  }
0xa3: {  	[sflag:s23] =	ssyncset.done $0x0  }
0xa4: {  	s25 =	simm.s32 $0x1B8E;
	s24 =	sld [smem:$0x3FFE];
	[sflag:s23] =	ssyncadd.s32 $0xFFFFFFFF  }
0xa5: {  	s26 =	simm.s32 $execute0_lowered;
	[smem:$0x3FD2] =	sst s25  }
0xa6: {  	s4 =	sshll.u32 s26, $0x1;
	_ =	strace $0x80000049;
	[dreg:$0x1] =	wrdreg $0xFFFFFFFF  }
0xa7: {  	s28 =	simm.s32 $_size_execute0_lowered;
	s2 =	sadd.s32 s2, s4;
	[dreg:$0x0] =	wrdreg $0x0  }
0xa8: {  	s4 =	sshll.u32 s28, $0x1;
	[dreg:$0x2] =	wrdreg s2  }
0xa9: {  	[dreg:$0x3] =	wrdreg s4  }
0xaa: {  	[dreg:$0x4] =	wrdreg $0xC0  }
0xab: {  	_ =	task [dreg:s6], $0x5FFFF  }
0xac: {  	[dreg:$0x1] =	wrdreg $0xFFFFFFFF  }
0xad: {  	[dreg:$0x0] =	wrdreg $0x60  }
0xae: {  	[dreg:$0x2] =	wrdreg s24  }
0xaf: {  	[dreg:$0x3] =	wrdreg $0x46500  }
0xb0: {  	[dreg:$0x4] =	wrdreg $0x9  }
0xb1: {  	_ =	task.clear_ibuf [dreg:s6], $0x5FFFF;
	_ =	strace $0x90000049  }
0xb2: {  	s29 =	simm.s32 $0x9;
	_ =	strace $0x8000004B  }
0xb3: {  	_ =	swait.ge [sflag:s29], $0x1  }
0xb4: {  	[sflag:s29] =	ssyncadd.s32 $0xFFFFFFFF  }
0xb5: {  	_ =	strace $0x9000004B  }
0xb6: {  	_ =	sfence  }
0xb7: {  	s30 =	sld [smem:$0x0];
	_ =	sdelay $0x2  }
0xb8: {  	s31 =	sshll.u32 s1, $0xD;
	s1 =	sshrl.u32 s1, $0x2  }
0xb9: {  	s3 =	sand.u32 $0x4000, s31;
	s1 =	sadd.s32 s1, s30  }
0xba: {  	s0 =	sor.u32 s3, s0;
	s1 =	sshll.u32 s1, $0x11  }
0xbb: {  	s0 =	sor.u32 s1, s0  }
0xbc: {  	s0 =	sadd.s32 $0x8F2B, s0  }
0xbd: {  	[sflag:s0] =	ssyncadd.remote.s32 $0x1  }
0xbe: {  	_ =	sfence.sel $0xFFFF  }
0xbf: {  	[dreg:$0x0] =	wrdreg $0xFFFFFFFF;
	(pc) =	sbr.abs _section_cstart, $3  }
0xc0: {  	[dreg:$0x1] =	wrdreg $0xFFFFFFFF  }
0xc1: {  	_ =	task.clear_ibuf [dreg:s6], $0x2FFFF;
	_ =	strace $0x9FFFFFFF  }
0xc2: {  	(tm) =	ssettm $0x7FFFFFFF  }
0xc3: {  	_ =	shalt  }
tec
execute0_lowered:
.L_overlay_start_1:
0x0: {  	(tag) =	ssettag $0x1  }
0x1: {  	s1 =	srdreg.scid;
	s4 =	rddreg [dreg:$0x0]  }
0x2: {  	s0 =	stileid.u32;
	s2 =	rddreg [dreg:$0x1]  }
0x3: {  	s3 =	simm.s32 $0x0;
	s13 =	simm.s32 $0x0;
	s6 =	smul.u32 $0x186A0, s0  }
0x4: {  	s5 =	sand.u32 $0x1, s1;
	s1 =	rddreg [dreg:$0x2];
	s8 =	smul.u32 $0x6400, s0  }
0x5: {  	[smem:$0x7FF] =	sst s3;
	s31 =	sshll.u32 s0, $0x6;
	s7 =	smul.u32 $0xC350, s5  }
0x6: {  	s28 =	smul.u32 $0x64000, s5;
	_ =	strace $0x8000004A;
	s5 =	ssub.s32 $0x2, s5  }
0x7: {  	s30 =	sshrl.u32 s8, $0x3;
	s11 =	sshrl.u32 s5, $0x1;
	s12 =	sadd.s32 s8, s2  }
0x8: {  	s6 =	sadd.s32 s7, s6;
	s29 =	sadd.s32 s8, s28;
	s7 =	sadd.s32 s30, s4  }
0x9: {  	s11 =	ssub.s32 s5, s11;
	s9 =	sadd.s32 s6, s4;
	s6 =	sshrl.u32 s6, $0x3  }
0xa: {  	s5 =	sor.u32 $0x1C01, s31;
	s10 =	sadd.s32 s6, s4;
	s6 =	sshrl.u32 s29, $0x3  }
0xb: {  	s8 =	sadd.s32 $0xCF400, s9;
	s6 =	sadd.s32 s6, s4;
	s4 =	sadd.s32 $0x255E00, s7  }
0xc: {  	s7 =	smax.u32 s11, $0x1;
	s9 =	sadd.s32 $0x3E9C00, s10;
	s10 =	sshrl.u32 s12, $0x3  }
0xd: {  	s11 =	simm.s32 $0x1;
	s12 =	simm.s32 $0x7D0;
	s6 =	sadd.s32 $0x262600, s6  }
.LBB2_1:
0xe: {  	[spmem:s10], [sflag:s5] =	dma.local [hbm:s4], $0xC80  }
0xf: {  	_ =	swait.ge [sflag:s11], $0xC80  }
0x10: {  	[sflag:s11] =	ssyncset.done $0x0  }
0x11: {  	[sflag:s11] =	ssyncadd.s32 $0xFFFFF380  }
0x12: {  	s14 =	sadd.s32 $0x0, s9;
	[bflag:$0x0] =	sbarrier.arrive $0xFFFF  }
0x13: {  	[tilespmem:s3], [sflag:$0x1] =	stream.linear.gather [hbm4b:s14+s3], $0x7D0, $0x38;
	[tilespmem:$0xAA50] =	vst v63  }
0x14: {  	_ =	swait.ge [sflag:s11], $0x7D0  }
0x15: {  	[sflag:s11] =	ssyncset.done $0x0  }
0x16: {  	[sflag:s11] =	ssyncadd.s32 $0xFFFFF830  }
0x17: {  	[tilespmem:s12], [sflag:$0x1] =	stream.linear.gather [hbm4b:s8+s3], $0x3E80, $0x38;
	[tilespmem:$0xAA50] =	vst v63  }
0x18: {  	_ =	swait.ge [sflag:s11], $0x3E80  }
0x19: {  	[sflag:s11] =	ssyncset.done $0x0  }
0x1a: {  	[sflag:s11] =	ssyncadd.s32 $0xFFFFC180  }
0x1b: {  	[spmem:s2] =	stream.indirect.scatter.add.f32 [tilespmem:s12], [sflag:$0x1], $0x8, s3, s12, $0xb8;
	[tilespmem:$0xAA50] =	vst v63  }
0x1c: {  	s15 =	simm.s32 $0xFA;
	_ =	swait.ge [sflag:s11], $0x3E80  }
0x1d: {  	s16 =	simm.s32 $0x1F4;
	s14 =	sadd.s32 $0x7D0, s8;
	[sflag:s11] =	ssyncset.done $0x0  }
.LBB2_2:
0x1e: {  	s17 =	sadd.s32 s15, s9  }
0x1f: {  	[sflag:s11] =	ssyncadd.s32 $0xFFFFC180;
	s15 =	smov.u32 s16;
	s18 =	sadd.s32 $0xFA, s16  }
0x20: {  	[tilespmem:s3], [sflag:$0x1] =	stream.linear.gather [hbm4b:s17+s3], $0x7D0, $0x38;
	[tilespmem:$0xAA50] =	vst v63  }
0x21: {  	p0 =	sne.s32 s16, $0x1770;
	_ =	swait.ge [sflag:s11], $0x7D0  }
0x22: {  	[sflag:s11] =	ssyncset.done $0x0  }
0x23: {  	[sflag:s11] =	ssyncadd.s32 $0xFFFFF830  }
0x24: {  	[tilespmem:s12], [sflag:$0x1] =	stream.linear.gather [hbm4b:s14+s3], $0x3E80, $0x38;
	[tilespmem:$0xAA50] =	vst v63  }
0x25: {  	_ =	swait.ge [sflag:s11], $0x3E80  }
.Ltmp0:
0x26: {  	[sflag:s11] =	ssyncset.done $0x0;
	(pc) =	sbr.rel @p0 .LBB2_2-.Ltmp0, $4  }
0x27: {  	[sflag:s11] =	ssyncadd.s32 $0xFFFFC180  }
0x28: {  	[spmem:s2] =	stream.indirect.scatter.add.f32 [tilespmem:s12], [sflag:$0x1], $0x8, s3, s12, $0xb8;
	[tilespmem:$0xAA50] =	vst v63  }
0x29: {  	_ =	swait.ge [sflag:s11], $0x3E80  }
0x2a: {  	s16 =	smov.u32 s18;
	s14 =	sadd.s32 $0x7D0, s14;
	[sflag:s11] =	ssyncset.done $0x0  }
0x2b: {  	s15 =	sadd.s32 s15, s9;
	[sflag:s11] =	ssyncadd.s32 $0xFFFFC180  }
0x2c: {  	[tilespmem:s3], [sflag:$0x1] =	stream.linear.gather [hbm4b:s15+s3], $0x7D0, $0x38;
	[tilespmem:$0xAA50] =	vst v63  }
0x2d: {  	_ =	swait.ge [sflag:s11], $0x7D0  }
0x2e: {  	[sflag:s11] =	ssyncset.done $0x0  }
0x2f: {  	[sflag:s11] =	ssyncadd.s32 $0xFFFFF830  }
0x30: {  	[tilespmem:s12], [sflag:$0x1] =	stream.linear.gather [hbm4b:s14+s3], $0x3E80, $0x38;
	[tilespmem:$0xAA50] =	vst v63  }
0x31: {  	_ =	swait.ge [sflag:s11], $0x3E80  }
0x32: {  	[sflag:s11] =	ssyncset.done $0x0  }
0x33: {  	[sflag:s11] =	ssyncadd.s32 $0xFFFFC180  }
0x34: {  	[spmem:s2] =	stream.indirect.scatter.add.f32 [tilespmem:s12], [sflag:$0x1], $0x8, s3, s12, $0xb8;
	[tilespmem:$0xAA50] =	vst v63  }
0x35: {  	_ =	swait.ge [sflag:s11], $0x3E80  }
0x36: {  	s13 =	sadd.s32 $0x1, s13;
	[sflag:s11] =	ssyncset.done $0x0  }
0x37: {  	p0 =	sne.s32 s13, s7;
	[sflag:s11] =	ssyncadd.s32 $0xFFFFC180  }
.Ltmp1:
0x38: {  	[bflag:$0x0] =	sbarrier.arrive $0xFFFF;
	(pc) =	sbr.rel @p0 .LBB2_1-.Ltmp1, $4  }
0x39: {  	[hbm:s6], [sflag:s5] =	dma.local [spmem:s10], $0xC80  }
0x3a: {  	_ =	swait.ge [sflag:s11], $0xC80  }
0x3b: {  	[sflag:s11] =	ssyncset.done $0x0  }
0x3c: {  	[sflag:s11] =	ssyncadd.s32 $0xFFFFF380  }
0x3d: {  	_ =	sfence.sel $0x180000  }
0x3e: {  	[bflag:$0x0] =	sbarrier.arrive $0xFFFF  }
0x3f: {  	p0 =	sne.s32 s0, $0x0;
	_ =	strace $0x9000004A  }
0x40: {  	s0 =	sadd.s32 @!p0 $0x100000, s1;
	[bflag:$0x2] =	sbarrier.arrive $0xFFFF  }
0x41: {  	[sflag:s0] =	ssyncadd.tile.s32 @!p0 $0x1;
	_ =	shalt  }
.Lfunc_end2:
_tile_overlayer_lowered:
.L_overlay_start_2:
0x42: {  	(tag) =	ssettag $0x2  }
0x43: {  	s0 =	rddreg [dreg:$0x0];
	s2 =	stileid.u32  }
0x44: {  	s1 =	rddreg [dreg:$0x1];
	p0 =	sne.s32 s2, $0x0  }
0x45: {  	s3 =	rddreg [dreg:$0x2];
	[bflag:$0x3] =	sbarrier.arrive $0xFFFF;
	s2 =	simm.s32 @!p0 $0x1C01  }
0x46: {  	[timem:s3], [sflag:s2] =	dma.local @!p0 [hbm:s0], s1  }
0x47: {  	s0 =	simm.s32 @!p0 $0x1  }
0x48: {  	_ =	swait.ge @!p0 [sflag:s0], s1  }
0x49: {  	s1 =	ssub.s32 @!p0 $0x0, s1;
	[sflag:s0] =	ssyncset.done @!p0 $0x0  }
0x4a: {  	[sflag:s0] =	ssyncadd.s32 @!p0 s1  }
0x4b: {  	[bflag:$0x3] =	sbarrier.arrive $0xFFFF  }
0x4c: {  	_ =	shalt  }

// kernel: kernel.21.cloned.1.call-start
scs
__scs_entry_jumppad:
0x0: {  	(pc) =	sbr.rel $0x88, $3  }
0x1: {  	(tag) =	ssettag $0x0;
	lr =	simm.s32 $0x1  }
0x2: {  	[smem:$0x3F92] =	sst lr;
	_ =	strace $0xD0000000  }
0x3: {  	_ = 	snop  }
0x4: {  	_ = 	snop  }
0x5: {  	_ = 	snop  }
0x6: {  	_ = 	snop  }
0x7: {  	_ = 	snop  }
__scs_overlays_trampoline_lowered:
0x8: {  	[smem:$0x3FA1] =	sst s0  }
0x9: {  	[smem:$0x3FA2] =	sst s1  }
0xa: {  	[smem:$0x3FA3] =	sst s2  }
0xb: {  	[smem:$0x3FA4] =	sst s3  }
0xc: {  	[smem:$0x3FA5] =	sst s4  }
0xd: {  	[smem:$0x3FA6] =	sst s5  }
0xe: {  	[smem:$0x3FA7] =	sst s6  }
0xf: {  	[smem:$0x3FA8] =	sst s7  }
0x10: {  	[smem:$0x3FA9] =	sst s8  }
0x11: {  	[smem:$0x3FAA] =	sst s9;
	s0 =	simm.s32 @!p0 $0x0  }
0x12: {  	s1 =	sld [smem:$0x3F90];
	s0 =	simm.s32 @p0 $0x1  }
0x13: {  	[smem:$0x3FAB] =	sst s0;
	s0 =	simm.s32 @!p1 $0x0  }
0x14: {  	s2 =	sld [smem:$0x3F8F];
	s0 =	simm.s32 @p1 $0x1  }
0x15: {  	[smem:$0x3FAC] =	sst s0;
	s0 =	simm.s32 @!p2 $0x0  }
0x16: {  	s3 =	sld [smem:$0x3FDB];
	s0 =	simm.s32 @p2 $0x1  }
0x17: {  	s4 =	simm.s32 $0x1BF5;
	[smem:$0x3FAE] =	sst s0  }
0x18: {  	s0 =	sld [smem:$0x3F91];
	_ =	swait.ge [sflag:s4], $0x0  }
0x19: {  	s7 =	sld [smem:$0x3F92]  }
0x1a: {  	s8 =	sadd.s32 $0xFFFFE003, lr  }
0x1b: {  	s9 =	sadd.s32 $0xFFFFFEF7, lr;
	s5 =	simm.s32 $0xFFFFFFFF;
	p2 =	slt.u32 s8, $0xFFFFF086  }
0x1c: {  	p1 =	slt.u32 s9, $0xF7A;
	s5 =	simm.s32 @!p2 $0x0  }
0x1d: {  	s5 =	simm.s32 @p1 $0x1;
	p0 =	seq.s32 s7, s2  }
0x1e: {  	s7 =	smul.u32 @!p0 $0xF7A, s2;
	p2 =	seq.s32 @!p0 s5, $0x0  }
0x1f: {  	s9 =	smul.u32 $0xF7A, s1;
	s8 =	simm.s32 @!p0 $0x1BF5;
	p2 =	por !p2, p0  }
0x20: {  	[sflag:s8] =	ssyncset.s32 @!p0 $0xFFFFF086;
	s6 =	sadd.s32 @!p0 s3, s7;
	s7 =	simm.s32 @!p0 $0x108  }
0x21: {  	s3 =	sadd.s32 s3, s9;
	s6 =	sadd.s32 @!p0 $0x88, s6;
	s7 =	simm.s32 @p2 $0x1082  }
0x22: {  	[simem:s7], [sflag:s8] =	dma.local @!p0 [hbm:s6], $0xF7A  }
0x23: {  	s9 =	sor.u32 $0xD0000000, s2;
	s6 =	simm.s32 $0x108;
	_ =	swait.ge @!p0 [sflag:s8], $0x0  }
0x24: {  	s3 =	sadd.s32 $0x88, s3;
	s6 =	simm.s32 @!p1 $0x1082;
	[sflag:s4] =	ssyncset.s32 $0xFFFFF086  }
0x25: {  	[simem:s6], [sflag:s4] =	dma.local [hbm:s3], $0xF7A  }
0x26: {  	[smem:$0x3F92] =	sst s1;
	(tag) =	ssettag s2;
	_ =	strace s9  }
0x27: {  	s1 =	sld [smem:$0x3FA2]  }
0x28: {  	s2 =	sld [smem:$0x3FA3]  }
0x29: {  	s4 =	sld [smem:$0x3FA5]  }
0x2a: {  	p0 =	seq.s32 s5, $0x0;
	s5 =	sld [smem:$0x3FA6]  }
0x2b: {  	s6 =	sld [smem:$0x3FA7]  }
0x2c: {  	s7 =	sld [smem:$0x3FA8]  }
0x2d: {  	s3 =	simm.s32 $0x108;
	s8 =	sld [smem:$0x3FA9]  }
0x2e: {  	s3 =	simm.s32 @!p0 $0x1082;
	s9 =	sld [smem:$0x3FAA]  }
0x2f: {  	lr =	sadd.s32 s0, s3;
	s0 =	sld [smem:$0x3FA1]  }
0x30: {  	s3 =	sld [smem:$0x3FA4]  }
0x31: {  	[smem:$0x3FAD] =	sst s10  }
0x32: {  	s10 =	sld [smem:$0x3FAB];
	_ =	sdelay $0x3  }
0x33: {  	p0 =	seq.s32 s10, $0x1;
	s10 =	sld [smem:$0x3FAD];
	_ =	sdelay $0x3  }
0x34: {  	[smem:$0x3FAD] =	sst s10  }
0x35: {  	s10 =	sld [smem:$0x3FAC];
	_ =	sdelay $0x3  }
0x36: {  	p1 =	seq.s32 s10, $0x1;
	s10 =	sld [smem:$0x3FAD];
	_ =	sdelay $0x3  }
0x37: {  	[smem:$0x3FAD] =	sst s10  }
0x38: {  	s10 =	sld [smem:$0x3FAE]  }
0x39: {  	_ = 	snop;
	(pc) =	sbr.ind lr, $3  }
0x3a: {  	_ = 	snop  }
0x3b: {  	_ = 	snop  }
0x3c: {  	p2 =	seq.s32 s10, $0x1;
	s10 =	sld [smem:$0x3FAD]  }
0x3d: {  	_ =	shalt  }
0x3e: {  	_ =	shalt  }
0x3f: {  	_ =	shalt  }
0x40: {  	_ =	shalt  }
0x41: {  	_ =	shalt  }
0x42: {  	_ =	shalt  }
0x43: {  	_ =	shalt  }
0x44: {  	_ =	shalt  }
0x45: {  	_ =	shalt  }
0x46: {  	_ =	shalt  }
0x47: {  	_ =	shalt  }
0x48: {  	_ =	shalt  }
0x49: {  	_ =	shalt  }
0x4a: {  	_ =	shalt  }
0x4b: {  	_ =	shalt  }
0x4c: {  	_ =	shalt  }
0x4d: {  	_ =	shalt  }
0x4e: {  	_ =	shalt  }
0x4f: {  	_ =	shalt  }
0x50: {  	_ =	shalt  }
0x51: {  	_ =	shalt  }
0x52: {  	_ =	shalt  }
0x53: {  	_ =	shalt  }
0x54: {  	_ =	shalt  }
0x55: {  	_ =	shalt  }
0x56: {  	_ =	shalt  }
0x57: {  	_ =	shalt  }
0x58: {  	_ =	shalt  }
0x59: {  	_ =	shalt  }
0x5a: {  	_ =	shalt  }
0x5b: {  	_ =	shalt  }
0x5c: {  	_ =	shalt  }
0x5d: {  	_ =	shalt  }
0x5e: {  	_ =	shalt  }
0x5f: {  	_ =	shalt  }
0x60: {  	_ =	shalt  }
0x61: {  	_ =	shalt  }
0x62: {  	_ =	shalt  }
0x63: {  	_ =	shalt  }
0x64: {  	_ =	shalt  }
0x65: {  	_ =	shalt  }
0x66: {  	_ =	shalt  }
0x67: {  	_ =	shalt  }
0x68: {  	_ =	shalt  }
0x69: {  	_ =	shalt  }
0x6a: {  	_ =	shalt  }
0x6b: {  	_ =	shalt  }
0x6c: {  	_ =	shalt  }
0x6d: {  	_ =	shalt  }
0x6e: {  	_ =	shalt  }
0x6f: {  	_ =	shalt  }
0x70: {  	_ =	shalt  }
0x71: {  	_ =	shalt  }
0x72: {  	_ =	shalt  }
0x73: {  	_ =	shalt  }
0x74: {  	_ =	shalt  }
0x75: {  	_ =	shalt  }
0x76: {  	_ =	shalt  }
0x77: {  	_ =	shalt  }
0x78: {  	_ =	shalt  }
0x79: {  	_ =	shalt  }
0x7a: {  	_ =	shalt  }
0x7b: {  	_ =	shalt  }
0x7c: {  	_ =	shalt  }
0x7d: {  	_ =	shalt  }
0x7e: {  	_ =	shalt  }
0x7f: {  	_ =	shalt  }
0x80: {  	_ =	shalt  }
0x81: {  	_ =	shalt  }
0x82: {  	_ =	shalt  }
0x83: {  	_ =	shalt  }
0x84: {  	_ =	shalt  }
0x85: {  	_ =	shalt  }
0x86: {  	_ =	shalt  }
0x87: {  	_ =	shalt  }
.Lfunc_end0:
.L_simem_size_0:
called_computation.2_lowered:
.L_overlay_start_0:
0x88: {  	s2 =	sld [smem:$0x3FD9]  }
0x89: {  	s3 =	sld [smem:$0x3FFE];
	_ =	sdelay $0x1  }
0x8a: {  	s1 =	srdreg.scid  }
0x8b: {  	s0 =	sand.u32 $0x1, s1  }
0x8c: {  	s16 =	sshll.u32 s0, $0xA;
	s2 =	sadd.s32 s3, s2  }
0x8d: {  	s2 =	sadd.s32 s2, s16  }
0x8e: {  	[smem:$0x3FB9] =	sst s2  }
0x8f: {  	_ = 	snop  }
0x90: {  	(tm) =	ssettm $0x1  }
0x91: {  	s17 =	sld [smem:$0x3FFB];
	_ =	sdelay $0x3  }
0x92: {  	_ =	strace s17  }
0x93: {  	s2 =	sld [smem:$0x3FFC];
	_ =	sdelay $0x3  }
0x94: {  	_ =	strace s2  }
0x95: {  	s2 =	sld [smem:$0x3FFD];
	_ =	sdelay $0x3  }
0x96: {  	_ =	strace s2  }
0x97: {  	_ =	strace $0x8FFFFFFF  }
0x98: {  	s18 =	sld [smem:$0x3FDB];
	_ =	sdelay $0x1  }
0x99: {  	s19 =	simm.s32 $_scs_section_size  }
0x9a: {  	s4 =	simm.s32 $_size__tile_overlayer_lowered;
	s5 =	simm.s32 $_tile_overlayer_lowered  }
0x9b: {  	s22 =	simm.s32 $0x1BFF;
	s21 =	sshll.u32 s5, $0x1;
	s2 =	sadd.s32 s19, s18  }
0x9c: {  	s6 =	simm.s32 $0x0;
	s20 =	sshll.u32 s4, $0x1;
	s4 =	sadd.s32 s21, s2  }
0x9d: {  	[timem:s6], [sflag:s22] =	dma.local [hbm:s4], s20  }
0x9e: {  	_ =	swait.ge [sflag:s22], s20  }
0x9f: {  	s3 =	ssub.s32 $0x0, s20;
	[sflag:s22] =	ssyncset.done $0x0  }
0xa0: {  	[sflag:s22] =	ssyncadd.s32 s3;
	_ =	sdelay $0x1  }
0xa1: {  	s23 =	simm.s32 $0x1B8B  }
0xa2: {  	_ =	swait.ge [sflag:s23], $0x1  }
0xa3: {  	[sflag:s23] =	ssyncset.done $0x0  }
0xa4: {  	s25 =	simm.s32 $0x1B8E;
	s24 =	sld [smem:$0x3FFE];
	[sflag:s23] =	ssyncadd.s32 $0xFFFFFFFF  }
0xa5: {  	s26 =	simm.s32 $execute0_lowered;
	[smem:$0x3FD2] =	sst s25  }
0xa6: {  	s4 =	sshll.u32 s26, $0x1;
	_ =	strace $0x8000004C;
	[dreg:$0x1] =	wrdreg $0xFFFFFFFF  }
0xa7: {  	s28 =	simm.s32 $_size_execute0_lowered;
	s2 =	sadd.s32 s2, s4;
	[dreg:$0x0] =	wrdreg $0x0  }
0xa8: {  	s4 =	sshll.u32 s28, $0x1;
	[dreg:$0x2] =	wrdreg s2  }
0xa9: {  	[dreg:$0x3] =	wrdreg s4  }
0xaa: {  	[dreg:$0x4] =	wrdreg $0xC0  }
0xab: {  	_ =	task [dreg:s6], $0x5FFFF  }
0xac: {  	[dreg:$0x1] =	wrdreg $0xFFFFFFFF  }
0xad: {  	[dreg:$0x0] =	wrdreg $0x60  }
0xae: {  	[dreg:$0x2] =	wrdreg s24  }
0xaf: {  	[dreg:$0x3] =	wrdreg $0x9  }
0xb0: {  	_ =	task.clear_ibuf [dreg:s6], $0x4FFFF;
	_ =	strace $0x9000004C  }
0xb1: {  	s29 =	simm.s32 $0x9;
	_ =	strace $0x8000004E  }
0xb2: {  	_ =	swait.ge [sflag:s29], $0x1  }
0xb3: {  	[sflag:s29] =	ssyncadd.s32 $0xFFFFFFFF  }
0xb4: {  	_ =	strace $0x9000004E  }
0xb5: {  	_ =	sfence  }
0xb6: {  	s30 =	sld [smem:$0x0];
	_ =	sdelay $0x2  }
0xb7: {  	s31 =	sshll.u32 s1, $0xD;
	s1 =	sshrl.u32 s1, $0x2  }
0xb8: {  	s3 =	sand.u32 $0x4000, s31;
	s1 =	sadd.s32 s1, s30  }
0xb9: {  	s0 =	sor.u32 s3, s0;
	s1 =	sshll.u32 s1, $0x11  }
0xba: {  	s0 =	sor.u32 s1, s0  }
0xbb: {  	s0 =	sadd.s32 $0x8F2B, s0  }
0xbc: {  	[sflag:s0] =	ssyncadd.remote.s32 $0x1  }
0xbd: {  	_ =	sfence.sel $0xFFFF  }
0xbe: {  	[dreg:$0x0] =	wrdreg $0xFFFFFFFF;
	(pc) =	sbr.abs _section_cstart, $3  }
0xbf: {  	[dreg:$0x1] =	wrdreg $0xFFFFFFFF  }
0xc0: {  	_ =	task.clear_ibuf [dreg:s6], $0x2FFFF;
	_ =	strace $0x9FFFFFFF  }
0xc1: {  	(tm) =	ssettm $0x7FFFFFFF  }
tec
execute0_lowered:
.L_overlay_start_1:
0x0: {  	(tag) =	ssettag $0x1  }
0x1: {  	s1 =	srdreg.scid  }
0x2: {  	s0 =	stileid.u32;
	s4 =	rddreg [dreg:$0x0];
	s2 =	simm.s32 $0x0  }
0x3: {  	s9 =	simm.s32 $0x1;
	s3 =	sand.u32 $0x1, s1;
	s5 =	smul.u32 $0x30D40, s0  }
0x4: {  	s10 =	simm.s32 $0x0;
	[smem:$0x7FF] =	sst s2;
	s6 =	smul.u32 $0x186A0, s3  }
0x5: {  	s1 =	rddreg [dreg:$0x1];
	s7 =	ssub.s32 $0x2, s3;
	_ =	strace $0x8000004D  }
0x6: {  	s3 =	sadd.s32 $0x262600, s4;
	s30 =	sshrl.u32 s7, $0x1;
	s5 =	sadd.s32 s6, s5  }
0x7: {  	s6 =	ssub.s32 s7, s30;
	s8 =	sshrl.u32 s5, $0x3;
	s5 =	sadd.s32 s5, s4  }
0x8: {  	s7 =	simm.s32 $0x2;
	s31 =	sadd.s32 s8, s4;
	s5 =	sadd.s32 $0x41AA00, s5  }
0x9: {  	s4 =	smax.u32 s6, $0x1;
	s8 =	simm.s32 $0x7D0;
	s6 =	sadd.s32 $0x1871400, s31  }
.LBB2_1:
0xa: {  	s11 =	sadd.s32 $0x0, s6  }
0xb: {  	[tilespmem:s2], [sflag:$0x2] =	stream.linear.gather [hbm4b:s11+s2], $0x7D0, $0x38;
	[tilespmem:$0x4650] =	vst v63  }
0xc: {  	_ =	swait.ge [sflag:s7], $0x7D0  }
0xd: {  	[sflag:s7] =	ssyncset.done $0x0  }
0xe: {  	[sflag:s7] =	ssyncadd.s32 $0xFFFFF830  }
0xf: {  	[tilespmem:s8], [sflag:$0x1] =	stream.indirect.gather [hbm4b:s3+s8], $0x8, s2, s8, $0xb8;
	[tilespmem:$0x4650] =	vst v63  }
0x10: {  	_ =	swait.ge [sflag:s9], $0x3E80  }
0x11: {  	[sflag:s9] =	ssyncset.done $0x0  }
0x12: {  	[sflag:s9] =	ssyncadd.s32 $0xFFFFC180  }
0x13: {  	[hbm4b:s5+s2] =	stream.linear.scatter [tilespmem:s8], [sflag:$0x2], $0x3E80, $0x38;
	[tilespmem:$0x4650] =	vst v63  }
0x14: {  	s12 =	simm.s32 $0xFA;
	_ =	swait.ge [sflag:s7], $0x3E80  }
0x15: {  	s13 =	simm.s32 $0x1F4;
	s11 =	sadd.s32 $0x7D0, s5;
	[sflag:s7] =	ssyncset.done $0x0  }
.LBB2_2:
0x16: {  	s14 =	sadd.s32 s12, s6  }
0x17: {  	[sflag:s7] =	ssyncadd.s32 $0xFFFFC180;
	s12 =	smov.u32 s13;
	s15 =	sadd.s32 $0xFA, s13  }
0x18: {  	[tilespmem:s2], [sflag:$0x2] =	stream.linear.gather [hbm4b:s14+s2], $0x7D0, $0x38;
	[tilespmem:$0x4650] =	vst v63  }
0x19: {  	p0 =	sne.s32 s13, $0x2FDA;
	_ =	swait.ge [sflag:s7], $0x7D0  }
0x1a: {  	[sflag:s7] =	ssyncset.done $0x0  }
0x1b: {  	[sflag:s7] =	ssyncadd.s32 $0xFFFFF830  }
0x1c: {  	[tilespmem:s8], [sflag:$0x1] =	stream.indirect.gather [hbm4b:s3+s8], $0x8, s2, s8, $0xb8;
	[tilespmem:$0x4650] =	vst v63  }
0x1d: {  	_ =	swait.ge [sflag:s9], $0x3E80  }
.Ltmp0:
0x1e: {  	[sflag:s9] =	ssyncset.done $0x0;
	(pc) =	sbr.rel @p0 .LBB2_2-.Ltmp0, $4  }
0x1f: {  	[sflag:s9] =	ssyncadd.s32 $0xFFFFC180  }
0x20: {  	[hbm4b:s11+s2] =	stream.linear.scatter [tilespmem:s8], [sflag:$0x2], $0x3E80, $0x38;
	[tilespmem:$0x4650] =	vst v63  }
0x21: {  	_ =	swait.ge [sflag:s7], $0x3E80  }
0x22: {  	s13 =	smov.u32 s15;
	s11 =	sadd.s32 $0x7D0, s11;
	[sflag:s7] =	ssyncset.done $0x0  }
0x23: {  	s12 =	sadd.s32 s12, s6;
	[sflag:s7] =	ssyncadd.s32 $0xFFFFC180  }
0x24: {  	[tilespmem:s2], [sflag:$0x2] =	stream.linear.gather [hbm4b:s12+s2], $0x7D0, $0x38;
	[tilespmem:$0x4650] =	vst v63  }
0x25: {  	_ =	swait.ge [sflag:s7], $0x7D0  }
0x26: {  	[sflag:s7] =	ssyncset.done $0x0  }
0x27: {  	[sflag:s7] =	ssyncadd.s32 $0xFFFFF830  }
0x28: {  	[tilespmem:s8], [sflag:$0x1] =	stream.indirect.gather [hbm4b:s3+s8], $0x8, s2, s8, $0xb8;
	[tilespmem:$0x4650] =	vst v63  }
0x29: {  	s10 =	sadd.s32 $0x1, s10;
	_ =	swait.ge [sflag:s9], $0x3E80  }
0x2a: {  	p0 =	sne.s32 s10, s4;
	[sflag:s9] =	ssyncset.done $0x0  }
.Ltmp1:
0x2b: {  	[sflag:s9] =	ssyncadd.s32 $0xFFFFC180;
	(pc) =	sbr.rel @p0 .LBB2_1-.Ltmp1, $4  }
0x2c: {  	[hbm4b:s11+s2] =	stream.linear.scatter [tilespmem:s8], [sflag:$0x2], $0x3E80, $0x38;
	[tilespmem:$0x4650] =	vst v63  }
0x2d: {  	_ =	swait.ge [sflag:s7], $0x3E80  }
0x2e: {  	[sflag:s7] =	ssyncset.done $0x0  }
0x2f: {  	[sflag:s7] =	ssyncadd.s32 $0xFFFFC180  }
0x30: {  	_ =	sfence.sel $0x180000  }
0x31: {  	[bflag:$0x0] =	sbarrier.arrive $0xFFFF  }
0x32: {  	p0 =	sne.s32 s0, $0x0;
	_ =	strace $0x9000004D  }
0x33: {  	s0 =	sadd.s32 @!p0 $0x100000, s1;
	[bflag:$0x2] =	sbarrier.arrive $0xFFFF  }
0x34: {  	[sflag:s0] =	ssyncadd.tile.s32 @!p0 $0x1;
	_ =	shalt  }
.Lfunc_end2:
_tile_overlayer_lowered:
.L_overlay_start_2:
0x35: {  	(tag) =	ssettag $0x2  }
0x36: {  	s0 =	rddreg [dreg:$0x0];
	s2 =	stileid.u32  }
0x37: {  	s1 =	rddreg [dreg:$0x1];
	p0 =	sne.s32 s2, $0x0  }
0x38: {  	s3 =	rddreg [dreg:$0x2];
	[bflag:$0x3] =	sbarrier.arrive $0xFFFF;
	s2 =	simm.s32 @!p0 $0x1C02  }
0x39: {  	[timem:s3], [sflag:s2] =	dma.local @!p0 [hbm:s0], s1  }
0x3a: {  	s0 =	simm.s32 @!p0 $0x2  }
0x3b: {  	_ =	swait.ge @!p0 [sflag:s0], s1  }
0x3c: {  	s1 =	ssub.s32 @!p0 $0x0, s1;
	[sflag:s0] =	ssyncset.done @!p0 $0x0  }
0x3d: {  	[sflag:s0] =	ssyncadd.s32 @!p0 s1  }
0x3e: {  	[bflag:$0x3] =	sbarrier.arrive $0xFFFF  }
0x3f: {  	_ =	shalt  }

// kernel: kernel.24.cloned.1.call-start
scs
__scs_entry_jumppad:
0x0: {  	(pc) =	sbr.rel $0x88, $3  }
0x1: {  	(tag) =	ssettag $0x0;
	lr =	simm.s32 $0x1  }
0x2: {  	[smem:$0x3F92] =	sst lr;
	_ =	strace $0xD0000000  }
0x3: {  	_ = 	snop  }
0x4: {  	_ = 	snop  }
0x5: {  	_ = 	snop  }
0x6: {  	_ = 	snop  }
0x7: {  	_ = 	snop  }
__scs_overlays_trampoline_lowered:
0x8: {  	[smem:$0x3FA1] =	sst s0  }
0x9: {  	[smem:$0x3FA2] =	sst s1  }
0xa: {  	[smem:$0x3FA3] =	sst s2  }
0xb: {  	[smem:$0x3FA4] =	sst s3  }
0xc: {  	[smem:$0x3FA5] =	sst s4  }
0xd: {  	[smem:$0x3FA6] =	sst s5  }
0xe: {  	[smem:$0x3FA7] =	sst s6  }
0xf: {  	[smem:$0x3FA8] =	sst s7  }
0x10: {  	[smem:$0x3FA9] =	sst s8  }
0x11: {  	[smem:$0x3FAA] =	sst s9;
	s0 =	simm.s32 @!p0 $0x0  }
0x12: {  	s1 =	sld [smem:$0x3F90];
	s0 =	simm.s32 @p0 $0x1  }
0x13: {  	[smem:$0x3FAB] =	sst s0;
	s0 =	simm.s32 @!p1 $0x0  }
0x14: {  	s2 =	sld [smem:$0x3F8F];
	s0 =	simm.s32 @p1 $0x1  }
0x15: {  	[smem:$0x3FAC] =	sst s0;
	s0 =	simm.s32 @!p2 $0x0  }
0x16: {  	s3 =	sld [smem:$0x3FDB];
	s0 =	simm.s32 @p2 $0x1  }
0x17: {  	s4 =	simm.s32 $0x1BF5;
	[smem:$0x3FAE] =	sst s0  }
0x18: {  	s0 =	sld [smem:$0x3F91];
	_ =	swait.ge [sflag:s4], $0x0  }
0x19: {  	s7 =	sld [smem:$0x3F92]  }
0x1a: {  	s8 =	sadd.s32 $0xFFFFE003, lr  }
0x1b: {  	s9 =	sadd.s32 $0xFFFFFEF7, lr;
	s5 =	simm.s32 $0xFFFFFFFF;
	p2 =	slt.u32 s8, $0xFFFFF086  }
0x1c: {  	p1 =	slt.u32 s9, $0xF7A;
	s5 =	simm.s32 @!p2 $0x0  }
0x1d: {  	s5 =	simm.s32 @p1 $0x1;
	p0 =	seq.s32 s7, s2  }
0x1e: {  	s7 =	smul.u32 @!p0 $0xF7A, s2;
	p2 =	seq.s32 @!p0 s5, $0x0  }
0x1f: {  	s9 =	smul.u32 $0xF7A, s1;
	s8 =	simm.s32 @!p0 $0x1BF5;
	p2 =	por !p2, p0  }
0x20: {  	[sflag:s8] =	ssyncset.s32 @!p0 $0xFFFFF086;
	s6 =	sadd.s32 @!p0 s3, s7;
	s7 =	simm.s32 @!p0 $0x108  }
0x21: {  	s3 =	sadd.s32 s3, s9;
	s6 =	sadd.s32 @!p0 $0x88, s6;
	s7 =	simm.s32 @p2 $0x1082  }
0x22: {  	[simem:s7], [sflag:s8] =	dma.local @!p0 [hbm:s6], $0xF7A  }
0x23: {  	s9 =	sor.u32 $0xD0000000, s2;
	s6 =	simm.s32 $0x108;
	_ =	swait.ge @!p0 [sflag:s8], $0x0  }
0x24: {  	s3 =	sadd.s32 $0x88, s3;
	s6 =	simm.s32 @!p1 $0x1082;
	[sflag:s4] =	ssyncset.s32 $0xFFFFF086  }
0x25: {  	[simem:s6], [sflag:s4] =	dma.local [hbm:s3], $0xF7A  }
0x26: {  	[smem:$0x3F92] =	sst s1;
	(tag) =	ssettag s2;
	_ =	strace s9  }
0x27: {  	s1 =	sld [smem:$0x3FA2]  }
0x28: {  	s2 =	sld [smem:$0x3FA3]  }
0x29: {  	s4 =	sld [smem:$0x3FA5]  }
0x2a: {  	p0 =	seq.s32 s5, $0x0;
	s5 =	sld [smem:$0x3FA6]  }
0x2b: {  	s6 =	sld [smem:$0x3FA7]  }
0x2c: {  	s7 =	sld [smem:$0x3FA8]  }
0x2d: {  	s3 =	simm.s32 $0x108;
	s8 =	sld [smem:$0x3FA9]  }
0x2e: {  	s3 =	simm.s32 @!p0 $0x1082;
	s9 =	sld [smem:$0x3FAA]  }
0x2f: {  	lr =	sadd.s32 s0, s3;
	s0 =	sld [smem:$0x3FA1]  }
0x30: {  	s3 =	sld [smem:$0x3FA4]  }
0x31: {  	[smem:$0x3FAD] =	sst s10  }
0x32: {  	s10 =	sld [smem:$0x3FAB];
	_ =	sdelay $0x3  }
0x33: {  	p0 =	seq.s32 s10, $0x1;
	s10 =	sld [smem:$0x3FAD];
	_ =	sdelay $0x3  }
0x34: {  	[smem:$0x3FAD] =	sst s10  }
0x35: {  	s10 =	sld [smem:$0x3FAC];
	_ =	sdelay $0x3  }
0x36: {  	p1 =	seq.s32 s10, $0x1;
	s10 =	sld [smem:$0x3FAD];
	_ =	sdelay $0x3  }
0x37: {  	[smem:$0x3FAD] =	sst s10  }
0x38: {  	s10 =	sld [smem:$0x3FAE]  }
0x39: {  	_ = 	snop;
	(pc) =	sbr.ind lr, $3  }
0x3a: {  	_ = 	snop  }
0x3b: {  	_ = 	snop  }
0x3c: {  	p2 =	seq.s32 s10, $0x1;
	s10 =	sld [smem:$0x3FAD]  }
0x3d: {  	_ =	shalt  }
0x3e: {  	_ =	shalt  }
0x3f: {  	_ =	shalt  }
0x40: {  	_ =	shalt  }
0x41: {  	_ =	shalt  }
0x42: {  	_ =	shalt  }
0x43: {  	_ =	shalt  }
0x44: {  	_ =	shalt  }
0x45: {  	_ =	shalt  }
0x46: {  	_ =	shalt  }
0x47: {  	_ =	shalt  }
0x48: {  	_ =	shalt  }
0x49: {  	_ =	shalt  }
0x4a: {  	_ =	shalt  }
0x4b: {  	_ =	shalt  }
0x4c: {  	_ =	shalt  }
0x4d: {  	_ =	shalt  }
0x4e: {  	_ =	shalt  }
0x4f: {  	_ =	shalt  }
0x50: {  	_ =	shalt  }
0x51: {  	_ =	shalt  }
0x52: {  	_ =	shalt  }
0x53: {  	_ =	shalt  }
0x54: {  	_ =	shalt  }
0x55: {  	_ =	shalt  }
0x56: {  	_ =	shalt  }
0x57: {  	_ =	shalt  }
0x58: {  	_ =	shalt  }
0x59: {  	_ =	shalt  }
0x5a: {  	_ =	shalt  }
0x5b: {  	_ =	shalt  }
0x5c: {  	_ =	shalt  }
0x5d: {  	_ =	shalt  }
0x5e: {  	_ =	shalt  }
0x5f: {  	_ =	shalt  }
0x60: {  	_ =	shalt  }
0x61: {  	_ =	shalt  }
0x62: {  	_ =	shalt  }
0x63: {  	_ =	shalt  }
0x64: {  	_ =	shalt  }
0x65: {  	_ =	shalt  }
0x66: {  	_ =	shalt  }
0x67: {  	_ =	shalt  }
0x68: {  	_ =	shalt  }
0x69: {  	_ =	shalt  }
0x6a: {  	_ =	shalt  }
0x6b: {  	_ =	shalt  }
0x6c: {  	_ =	shalt  }
0x6d: {  	_ =	shalt  }
0x6e: {  	_ =	shalt  }
0x6f: {  	_ =	shalt  }
0x70: {  	_ =	shalt  }
0x71: {  	_ =	shalt  }
0x72: {  	_ =	shalt  }
0x73: {  	_ =	shalt  }
0x74: {  	_ =	shalt  }
0x75: {  	_ =	shalt  }
0x76: {  	_ =	shalt  }
0x77: {  	_ =	shalt  }
0x78: {  	_ =	shalt  }
0x79: {  	_ =	shalt  }
0x7a: {  	_ =	shalt  }
0x7b: {  	_ =	shalt  }
0x7c: {  	_ =	shalt  }
0x7d: {  	_ =	shalt  }
0x7e: {  	_ =	shalt  }
0x7f: {  	_ =	shalt  }
0x80: {  	_ =	shalt  }
0x81: {  	_ =	shalt  }
0x82: {  	_ =	shalt  }
0x83: {  	_ =	shalt  }
0x84: {  	_ =	shalt  }
0x85: {  	_ =	shalt  }
0x86: {  	_ =	shalt  }
0x87: {  	_ =	shalt  }
.Lfunc_end0:
.L_simem_size_0:
called_computation.3_lowered:
.L_overlay_start_0:
0x88: {  	s2 =	sld [smem:$0x3FD9]  }
0x89: {  	s3 =	sld [smem:$0x3FFE];
	_ =	sdelay $0x1  }
0x8a: {  	s1 =	srdreg.scid  }
0x8b: {  	s0 =	sand.u32 $0x1, s1  }
0x8c: {  	s16 =	sshll.u32 s0, $0xA;
	s2 =	sadd.s32 s3, s2  }
0x8d: {  	s2 =	sadd.s32 s2, s16  }
0x8e: {  	[smem:$0x3FB9] =	sst s2  }
0x8f: {  	_ = 	snop  }
0x90: {  	(tm) =	ssettm $0x1  }
0x91: {  	s17 =	sld [smem:$0x3FFB];
	_ =	sdelay $0x3  }
0x92: {  	_ =	strace s17  }
0x93: {  	s2 =	sld [smem:$0x3FFC];
	_ =	sdelay $0x3  }
0x94: {  	_ =	strace s2  }
0x95: {  	s2 =	sld [smem:$0x3FFD];
	_ =	sdelay $0x3  }
0x96: {  	_ =	strace s2  }
0x97: {  	_ =	strace $0x8FFFFFFF  }
0x98: {  	s18 =	sld [smem:$0x3FDB];
	_ =	sdelay $0x1  }
0x99: {  	s19 =	simm.s32 $_scs_section_size  }
0x9a: {  	s4 =	simm.s32 $_size__tile_overlayer_lowered;
	s5 =	simm.s32 $_tile_overlayer_lowered  }
0x9b: {  	s22 =	simm.s32 $0x1BFF;
	s21 =	sshll.u32 s5, $0x1;
	s2 =	sadd.s32 s19, s18  }
0x9c: {  	s6 =	simm.s32 $0x0;
	s20 =	sshll.u32 s4, $0x1;
	s4 =	sadd.s32 s21, s2  }
0x9d: {  	[timem:s6], [sflag:s22] =	dma.local [hbm:s4], s20  }
0x9e: {  	_ =	swait.ge [sflag:s22], s20  }
0x9f: {  	s3 =	ssub.s32 $0x0, s20;
	[sflag:s22] =	ssyncset.done $0x0  }
0xa0: {  	[sflag:s22] =	ssyncadd.s32 s3;
	_ =	sdelay $0x1  }
0xa1: {  	s23 =	simm.s32 $0x1B8B  }
0xa2: {  	_ =	swait.ge [sflag:s23], $0x1  }
0xa3: {  	[sflag:s23] =	ssyncset.done $0x0  }
0xa4: {  	s25 =	simm.s32 $0x1B8E;
	s24 =	sld [smem:$0x3FFE];
	[sflag:s23] =	ssyncadd.s32 $0xFFFFFFFF  }
0xa5: {  	s26 =	simm.s32 $execute0_lowered;
	[smem:$0x3FD2] =	sst s25  }
0xa6: {  	s4 =	sshll.u32 s26, $0x1;
	_ =	strace $0x8000004F;
	[dreg:$0x1] =	wrdreg $0xFFFFFFFF  }
0xa7: {  	s28 =	simm.s32 $_size_execute0_lowered;
	s2 =	sadd.s32 s2, s4;
	[dreg:$0x0] =	wrdreg $0x0  }
0xa8: {  	s4 =	sshll.u32 s28, $0x1;
	[dreg:$0x2] =	wrdreg s2  }
0xa9: {  	[dreg:$0x3] =	wrdreg s4  }
0xaa: {  	[dreg:$0x4] =	wrdreg $0xC0  }
0xab: {  	_ =	task [dreg:s6], $0x5FFFF  }
0xac: {  	[dreg:$0x1] =	wrdreg $0xFFFFFFFF  }
0xad: {  	[dreg:$0x0] =	wrdreg $0x60  }
0xae: {  	[dreg:$0x2] =	wrdreg s24  }
0xaf: {  	[dreg:$0x3] =	wrdreg $0x46500  }
0xb0: {  	[dreg:$0x4] =	wrdreg $0x9  }
0xb1: {  	_ =	task.clear_ibuf [dreg:s6], $0x5FFFF;
	_ =	strace $0x9000004F  }
0xb2: {  	s29 =	simm.s32 $0x9;
	_ =	strace $0x80000051  }
0xb3: {  	_ =	swait.ge [sflag:s29], $0x1  }
0xb4: {  	[sflag:s29] =	ssyncadd.s32 $0xFFFFFFFF  }
0xb5: {  	_ =	strace $0x90000051  }
0xb6: {  	_ =	sfence  }
0xb7: {  	s30 =	sld [smem:$0x0];
	_ =	sdelay $0x2  }
0xb8: {  	s31 =	sshll.u32 s1, $0xD;
	s1 =	sshrl.u32 s1, $0x2  }
0xb9: {  	s3 =	sand.u32 $0x4000, s31;
	s1 =	sadd.s32 s1, s30  }
0xba: {  	s0 =	sor.u32 s3, s0;
	s1 =	sshll.u32 s1, $0x11  }
0xbb: {  	s0 =	sor.u32 s1, s0  }
0xbc: {  	s0 =	sadd.s32 $0x8F2B, s0  }
0xbd: {  	[sflag:s0] =	ssyncadd.remote.s32 $0x1  }
0xbe: {  	_ =	sfence.sel $0xFFFF  }
0xbf: {  	[dreg:$0x0] =	wrdreg $0xFFFFFFFF;
	(pc) =	sbr.abs _section_cstart, $3  }
0xc0: {  	[dreg:$0x1] =	wrdreg $0xFFFFFFFF  }
0xc1: {  	_ =	task.clear_ibuf [dreg:s6], $0x2FFFF;
	_ =	strace $0x9FFFFFFF  }
0xc2: {  	(tm) =	ssettm $0x7FFFFFFF  }
0xc3: {  	_ =	shalt  }
tec
execute0_lowered:
.L_overlay_start_1:
0x0: {  	(tag) =	ssettag $0x1  }
0x1: {  	s1 =	srdreg.scid;
	s4 =	rddreg [dreg:$0x0]  }
0x2: {  	s0 =	stileid.u32;
	s2 =	rddreg [dreg:$0x1]  }
0x3: {  	s3 =	simm.s32 $0x0;
	s13 =	simm.s32 $0x0;
	s6 =	smul.u32 $0x186A0, s0  }
0x4: {  	s5 =	sand.u32 $0x1, s1;
	s1 =	rddreg [dreg:$0x2];
	s8 =	smul.u32 $0x6400, s0  }
0x5: {  	[smem:$0x7FF] =	sst s3;
	s31 =	sshll.u32 s0, $0x6;
	s7 =	smul.u32 $0xC350, s5  }
0x6: {  	s28 =	smul.u32 $0x64000, s5;
	_ =	strace $0x80000050;
	s5 =	ssub.s32 $0x2, s5  }
0x7: {  	s30 =	sshrl.u32 s8, $0x3;
	s11 =	sshrl.u32 s5, $0x1;
	s12 =	sadd.s32 s8, s2  }
0x8: {  	s6 =	sadd.s32 s7, s6;
	s29 =	sadd.s32 s8, s28;
	s7 =	sadd.s32 s30, s4  }
0x9: {  	s11 =	ssub.s32 s5, s11;
	s9 =	sadd.s32 s6, s4;
	s6 =	sshrl.u32 s6, $0x3  }
0xa: {  	s5 =	sor.u32 $0x1C01, s31;
	s10 =	sadd.s32 s6, s4;
	s6 =	sshrl.u32 s29, $0x3  }
0xb: {  	s8 =	sadd.s32 $0x7400, s9;
	s6 =	sadd.s32 s6, s4;
	s4 =	sadd.s32 $0x255E00, s7  }
0xc: {  	s7 =	smax.u32 s11, $0x1;
	s9 =	sadd.s32 $0x3E9C00, s10;
	s10 =	sshrl.u32 s12, $0x3  }
0xd: {  	s11 =	simm.s32 $0x1;
	s12 =	simm.s32 $0x7D0;
	s6 =	sadd.s32 $0x262600, s6  }
.LBB2_1:
0xe: {  	[spmem:s10], [sflag:s5] =	dma.local [hbm:s4], $0xC80  }
0xf: {  	_ =	swait.ge [sflag:s11], $0xC80  }
0x10: {  	[sflag:s11] =	ssyncset.done $0x0  }
0x11: {  	[sflag:s11] =	ssyncadd.s32 $0xFFFFF380  }
0x12: {  	s14 =	sadd.s32 $0x0, s9;
	[bflag:$0x0] =	sbarrier.arrive $0xFFFF  }
0x13: {  	[tilespmem:s3], [sflag:$0x1] =	stream.linear.gather [hbm4b:s14+s3], $0x7D0, $0x38;
	[tilespmem:$0xAA50] =	vst v63  }
0x14: {  	_ =	swait.ge [sflag:s11], $0x7D0  }
0x15: {  	[sflag:s11] =	ssyncset.done $0x0  }
0x16: {  	[sflag:s11] =	ssyncadd.s32 $0xFFFFF830  }
0x17: {  	[tilespmem:s12], [sflag:$0x1] =	stream.linear.gather [hbm4b:s8+s3], $0x3E80, $0x38;
	[tilespmem:$0xAA50] =	vst v63  }
0x18: {  	_ =	swait.ge [sflag:s11], $0x3E80  }
0x19: {  	[sflag:s11] =	ssyncset.done $0x0  }
0x1a: {  	[sflag:s11] =	ssyncadd.s32 $0xFFFFC180  }
0x1b: {  	[spmem:s2] =	stream.indirect.scatter.add.f32 [tilespmem:s12], [sflag:$0x1], $0x8, s3, s12, $0xb8;
	[tilespmem:$0xAA50] =	vst v63  }
0x1c: {  	s15 =	simm.s32 $0xFA;
	_ =	swait.ge [sflag:s11], $0x3E80  }
0x1d: {  	s16 =	simm.s32 $0x1F4;
	s14 =	sadd.s32 $0x7D0, s8;
	[sflag:s11] =	ssyncset.done $0x0  }
.LBB2_2:
0x1e: {  	s17 =	sadd.s32 s15, s9  }
0x1f: {  	[sflag:s11] =	ssyncadd.s32 $0xFFFFC180;
	s15 =	smov.u32 s16;
	s18 =	sadd.s32 $0xFA, s16  }
0x20: {  	[tilespmem:s3], [sflag:$0x1] =	stream.linear.gather [hbm4b:s17+s3], $0x7D0, $0x38;
	[tilespmem:$0xAA50] =	vst v63  }
0x21: {  	p0 =	sne.s32 s16, $0x1770;
	_ =	swait.ge [sflag:s11], $0x7D0  }
0x22: {  	[sflag:s11] =	ssyncset.done $0x0  }
0x23: {  	[sflag:s11] =	ssyncadd.s32 $0xFFFFF830  }
0x24: {  	[tilespmem:s12], [sflag:$0x1] =	stream.linear.gather [hbm4b:s14+s3], $0x3E80, $0x38;
	[tilespmem:$0xAA50] =	vst v63  }
0x25: {  	_ =	swait.ge [sflag:s11], $0x3E80  }
.Ltmp0:
0x26: {  	[sflag:s11] =	ssyncset.done $0x0;
	(pc) =	sbr.rel @p0 .LBB2_2-.Ltmp0, $4  }
0x27: {  	[sflag:s11] =	ssyncadd.s32 $0xFFFFC180  }
0x28: {  	[spmem:s2] =	stream.indirect.scatter.add.f32 [tilespmem:s12], [sflag:$0x1], $0x8, s3, s12, $0xb8;
	[tilespmem:$0xAA50] =	vst v63  }
0x29: {  	_ =	swait.ge [sflag:s11], $0x3E80  }
0x2a: {  	s16 =	smov.u32 s18;
	s14 =	sadd.s32 $0x7D0, s14;
	[sflag:s11] =	ssyncset.done $0x0  }
0x2b: {  	s15 =	sadd.s32 s15, s9;
	[sflag:s11] =	ssyncadd.s32 $0xFFFFC180  }
0x2c: {  	[tilespmem:s3], [sflag:$0x1] =	stream.linear.gather [hbm4b:s15+s3], $0x7D0, $0x38;
	[tilespmem:$0xAA50] =	vst v63  }
0x2d: {  	_ =	swait.ge [sflag:s11], $0x7D0  }
0x2e: {  	[sflag:s11] =	ssyncset.done $0x0  }
0x2f: {  	[sflag:s11] =	ssyncadd.s32 $0xFFFFF830  }
0x30: {  	[tilespmem:s12], [sflag:$0x1] =	stream.linear.gather [hbm4b:s14+s3], $0x3E80, $0x38;
	[tilespmem:$0xAA50] =	vst v63  }
0x31: {  	_ =	swait.ge [sflag:s11], $0x3E80  }
0x32: {  	[sflag:s11] =	ssyncset.done $0x0  }
0x33: {  	[sflag:s11] =	ssyncadd.s32 $0xFFFFC180  }
0x34: {  	[spmem:s2] =	stream.indirect.scatter.add.f32 [tilespmem:s12], [sflag:$0x1], $0x8, s3, s12, $0xb8;
	[tilespmem:$0xAA50] =	vst v63  }
0x35: {  	_ =	swait.ge [sflag:s11], $0x3E80  }
0x36: {  	s13 =	sadd.s32 $0x1, s13;
	[sflag:s11] =	ssyncset.done $0x0  }
0x37: {  	p0 =	sne.s32 s13, s7;
	[sflag:s11] =	ssyncadd.s32 $0xFFFFC180  }
.Ltmp1:
0x38: {  	[bflag:$0x0] =	sbarrier.arrive $0xFFFF;
	(pc) =	sbr.rel @p0 .LBB2_1-.Ltmp1, $4  }
0x39: {  	[hbm:s6], [sflag:s5] =	dma.local [spmem:s10], $0xC80  }
0x3a: {  	_ =	swait.ge [sflag:s11], $0xC80  }
0x3b: {  	[sflag:s11] =	ssyncset.done $0x0  }
0x3c: {  	[sflag:s11] =	ssyncadd.s32 $0xFFFFF380  }
0x3d: {  	_ =	sfence.sel $0x180000  }
0x3e: {  	[bflag:$0x0] =	sbarrier.arrive $0xFFFF  }
0x3f: {  	p0 =	sne.s32 s0, $0x0;
	_ =	strace $0x90000050  }
0x40: {  	s0 =	sadd.s32 @!p0 $0x100000, s1;
	[bflag:$0x2] =	sbarrier.arrive $0xFFFF  }
0x41: {  	[sflag:s0] =	ssyncadd.tile.s32 @!p0 $0x1;
	_ =	shalt  }
.Lfunc_end2:
_tile_overlayer_lowered:
.L_overlay_start_2:
0x42: {  	(tag) =	ssettag $0x2  }
0x43: {  	s0 =	rddreg [dreg:$0x0];
	s2 =	stileid.u32  }
0x44: {  	s1 =	rddreg [dreg:$0x1];
	p0 =	sne.s32 s2, $0x0  }
0x45: {  	s3 =	rddreg [dreg:$0x2];
	[bflag:$0x3] =	sbarrier.arrive $0xFFFF;
	s2 =	simm.s32 @!p0 $0x1C01  }
0x46: {  	[timem:s3], [sflag:s2] =	dma.local @!p0 [hbm:s0], s1  }
0x47: {  	s0 =	simm.s32 @!p0 $0x1  }
0x48: {  	_ =	swait.ge @!p0 [sflag:s0], s1  }
0x49: {  	s1 =	ssub.s32 @!p0 $0x0, s1;
	[sflag:s0] =	ssyncset.done @!p0 $0x0  }
0x4a: {  	[sflag:s0] =	ssyncadd.s32 @!p0 s1  }
0x4b: {  	[bflag:$0x3] =	sbarrier.arrive $0xFFFF  }
0x4c: {  	_ =	shalt  }

// kernel: kernel.27.cloned.1.call-start
scs
__scs_entry_jumppad:
0x0: {  	(pc) =	sbr.rel $0x88, $3  }
0x1: {  	(tag) =	ssettag $0x0;
	lr =	simm.s32 $0x1  }
0x2: {  	[smem:$0x3F92] =	sst lr;
	_ =	strace $0xD0000000  }
0x3: {  	_ = 	snop  }
0x4: {  	_ = 	snop  }
0x5: {  	_ = 	snop  }
0x6: {  	_ = 	snop  }
0x7: {  	_ = 	snop  }
__scs_overlays_trampoline_lowered:
0x8: {  	[smem:$0x3FA1] =	sst s0  }
0x9: {  	[smem:$0x3FA2] =	sst s1  }
0xa: {  	[smem:$0x3FA3] =	sst s2  }
0xb: {  	[smem:$0x3FA4] =	sst s3  }
0xc: {  	[smem:$0x3FA5] =	sst s4  }
0xd: {  	[smem:$0x3FA6] =	sst s5  }
0xe: {  	[smem:$0x3FA7] =	sst s6  }
0xf: {  	[smem:$0x3FA8] =	sst s7  }
0x10: {  	[smem:$0x3FA9] =	sst s8  }
0x11: {  	[smem:$0x3FAA] =	sst s9;
	s0 =	simm.s32 @!p0 $0x0  }
0x12: {  	s1 =	sld [smem:$0x3F90];
	s0 =	simm.s32 @p0 $0x1  }
0x13: {  	[smem:$0x3FAB] =	sst s0;
	s0 =	simm.s32 @!p1 $0x0  }
0x14: {  	s2 =	sld [smem:$0x3F8F];
	s0 =	simm.s32 @p1 $0x1  }
0x15: {  	[smem:$0x3FAC] =	sst s0;
	s0 =	simm.s32 @!p2 $0x0  }
0x16: {  	s3 =	sld [smem:$0x3FDB];
	s0 =	simm.s32 @p2 $0x1  }
0x17: {  	s4 =	simm.s32 $0x1BF5;
	[smem:$0x3FAE] =	sst s0  }
0x18: {  	s0 =	sld [smem:$0x3F91];
	_ =	swait.ge [sflag:s4], $0x0  }
0x19: {  	s7 =	sld [smem:$0x3F92]  }
0x1a: {  	s8 =	sadd.s32 $0xFFFFE003, lr  }
0x1b: {  	s9 =	sadd.s32 $0xFFFFFEF7, lr;
	s5 =	simm.s32 $0xFFFFFFFF;
	p2 =	slt.u32 s8, $0xFFFFF086  }
0x1c: {  	p1 =	slt.u32 s9, $0xF7A;
	s5 =	simm.s32 @!p2 $0x0  }
0x1d: {  	s5 =	simm.s32 @p1 $0x1;
	p0 =	seq.s32 s7, s2  }
0x1e: {  	s7 =	smul.u32 @!p0 $0xF7A, s2;
	p2 =	seq.s32 @!p0 s5, $0x0  }
0x1f: {  	s9 =	smul.u32 $0xF7A, s1;
	s8 =	simm.s32 @!p0 $0x1BF5;
	p2 =	por !p2, p0  }
0x20: {  	[sflag:s8] =	ssyncset.s32 @!p0 $0xFFFFF086;
	s6 =	sadd.s32 @!p0 s3, s7;
	s7 =	simm.s32 @!p0 $0x108  }
0x21: {  	s3 =	sadd.s32 s3, s9;
	s6 =	sadd.s32 @!p0 $0x88, s6;
	s7 =	simm.s32 @p2 $0x1082  }
0x22: {  	[simem:s7], [sflag:s8] =	dma.local @!p0 [hbm:s6], $0xF7A  }
0x23: {  	s9 =	sor.u32 $0xD0000000, s2;
	s6 =	simm.s32 $0x108;
	_ =	swait.ge @!p0 [sflag:s8], $0x0  }
0x24: {  	s3 =	sadd.s32 $0x88, s3;
	s6 =	simm.s32 @!p1 $0x1082;
	[sflag:s4] =	ssyncset.s32 $0xFFFFF086  }
0x25: {  	[simem:s6], [sflag:s4] =	dma.local [hbm:s3], $0xF7A  }
0x26: {  	[smem:$0x3F92] =	sst s1;
	(tag) =	ssettag s2;
	_ =	strace s9  }
0x27: {  	s1 =	sld [smem:$0x3FA2]  }
0x28: {  	s2 =	sld [smem:$0x3FA3]  }
0x29: {  	s4 =	sld [smem:$0x3FA5]  }
0x2a: {  	p0 =	seq.s32 s5, $0x0;
	s5 =	sld [smem:$0x3FA6]  }
0x2b: {  	s6 =	sld [smem:$0x3FA7]  }
0x2c: {  	s7 =	sld [smem:$0x3FA8]  }
0x2d: {  	s3 =	simm.s32 $0x108;
	s8 =	sld [smem:$0x3FA9]  }
0x2e: {  	s3 =	simm.s32 @!p0 $0x1082;
	s9 =	sld [smem:$0x3FAA]  }
0x2f: {  	lr =	sadd.s32 s0, s3;
	s0 =	sld [smem:$0x3FA1]  }
0x30: {  	s3 =	sld [smem:$0x3FA4]  }
0x31: {  	[smem:$0x3FAD] =	sst s10  }
0x32: {  	s10 =	sld [smem:$0x3FAB];
	_ =	sdelay $0x3  }
0x33: {  	p0 =	seq.s32 s10, $0x1;
	s10 =	sld [smem:$0x3FAD];
	_ =	sdelay $0x3  }
0x34: {  	[smem:$0x3FAD] =	sst s10  }
0x35: {  	s10 =	sld [smem:$0x3FAC];
	_ =	sdelay $0x3  }
0x36: {  	p1 =	seq.s32 s10, $0x1;
	s10 =	sld [smem:$0x3FAD];
	_ =	sdelay $0x3  }
0x37: {  	[smem:$0x3FAD] =	sst s10  }
0x38: {  	s10 =	sld [smem:$0x3FAE]  }
0x39: {  	_ = 	snop;
	(pc) =	sbr.ind lr, $3  }
0x3a: {  	_ = 	snop  }
0x3b: {  	_ = 	snop  }
0x3c: {  	p2 =	seq.s32 s10, $0x1;
	s10 =	sld [smem:$0x3FAD]  }
0x3d: {  	_ =	shalt  }
0x3e: {  	_ =	shalt  }
0x3f: {  	_ =	shalt  }
0x40: {  	_ =	shalt  }
0x41: {  	_ =	shalt  }
0x42: {  	_ =	shalt  }
0x43: {  	_ =	shalt  }
0x44: {  	_ =	shalt  }
0x45: {  	_ =	shalt  }
0x46: {  	_ =	shalt  }
0x47: {  	_ =	shalt  }
0x48: {  	_ =	shalt  }
0x49: {  	_ =	shalt  }
0x4a: {  	_ =	shalt  }
0x4b: {  	_ =	shalt  }
0x4c: {  	_ =	shalt  }
0x4d: {  	_ =	shalt  }
0x4e: {  	_ =	shalt  }
0x4f: {  	_ =	shalt  }
0x50: {  	_ =	shalt  }
0x51: {  	_ =	shalt  }
0x52: {  	_ =	shalt  }
0x53: {  	_ =	shalt  }
0x54: {  	_ =	shalt  }
0x55: {  	_ =	shalt  }
0x56: {  	_ =	shalt  }
0x57: {  	_ =	shalt  }
0x58: {  	_ =	shalt  }
0x59: {  	_ =	shalt  }
0x5a: {  	_ =	shalt  }
0x5b: {  	_ =	shalt  }
0x5c: {  	_ =	shalt  }
0x5d: {  	_ =	shalt  }
0x5e: {  	_ =	shalt  }
0x5f: {  	_ =	shalt  }
0x60: {  	_ =	shalt  }
0x61: {  	_ =	shalt  }
0x62: {  	_ =	shalt  }
0x63: {  	_ =	shalt  }
0x64: {  	_ =	shalt  }
0x65: {  	_ =	shalt  }
0x66: {  	_ =	shalt  }
0x67: {  	_ =	shalt  }
0x68: {  	_ =	shalt  }
0x69: {  	_ =	shalt  }
0x6a: {  	_ =	shalt  }
0x6b: {  	_ =	shalt  }
0x6c: {  	_ =	shalt  }
0x6d: {  	_ =	shalt  }
0x6e: {  	_ =	shalt  }
0x6f: {  	_ =	shalt  }
0x70: {  	_ =	shalt  }
0x71: {  	_ =	shalt  }
0x72: {  	_ =	shalt  }
0x73: {  	_ =	shalt  }
0x74: {  	_ =	shalt  }
0x75: {  	_ =	shalt  }
0x76: {  	_ =	shalt  }
0x77: {  	_ =	shalt  }
0x78: {  	_ =	shalt  }
0x79: {  	_ =	shalt  }
0x7a: {  	_ =	shalt  }
0x7b: {  	_ =	shalt  }
0x7c: {  	_ =	shalt  }
0x7d: {  	_ =	shalt  }
0x7e: {  	_ =	shalt  }
0x7f: {  	_ =	shalt  }
0x80: {  	_ =	shalt  }
0x81: {  	_ =	shalt  }
0x82: {  	_ =	shalt  }
0x83: {  	_ =	shalt  }
0x84: {  	_ =	shalt  }
0x85: {  	_ =	shalt  }
0x86: {  	_ =	shalt  }
0x87: {  	_ =	shalt  }
.Lfunc_end0:
.L_simem_size_0:
called_computation.4_lowered:
.L_overlay_start_0:
0x88: {  	s2 =	sld [smem:$0x3FD9]  }
0x89: {  	s3 =	sld [smem:$0x3FFE];
	_ =	sdelay $0x1  }
0x8a: {  	s1 =	srdreg.scid  }
0x8b: {  	s0 =	sand.u32 $0x1, s1  }
0x8c: {  	s16 =	sshll.u32 s0, $0xA;
	s2 =	sadd.s32 s3, s2  }
0x8d: {  	s2 =	sadd.s32 s2, s16  }
0x8e: {  	[smem:$0x3FB9] =	sst s2  }
0x8f: {  	_ = 	snop  }
0x90: {  	(tm) =	ssettm $0x1  }
0x91: {  	s17 =	sld [smem:$0x3FFB];
	_ =	sdelay $0x3  }
0x92: {  	_ =	strace s17  }
0x93: {  	s2 =	sld [smem:$0x3FFC];
	_ =	sdelay $0x3  }
0x94: {  	_ =	strace s2  }
0x95: {  	s2 =	sld [smem:$0x3FFD];
	_ =	sdelay $0x3  }
0x96: {  	_ =	strace s2  }
0x97: {  	_ =	strace $0x8FFFFFFF  }
0x98: {  	s18 =	sld [smem:$0x3FDB];
	_ =	sdelay $0x1  }
0x99: {  	s19 =	simm.s32 $_scs_section_size  }
0x9a: {  	s4 =	simm.s32 $_size__tile_overlayer_lowered;
	s5 =	simm.s32 $_tile_overlayer_lowered  }
0x9b: {  	s22 =	simm.s32 $0x1BFF;
	s21 =	sshll.u32 s5, $0x1;
	s2 =	sadd.s32 s19, s18  }
0x9c: {  	s6 =	simm.s32 $0x0;
	s20 =	sshll.u32 s4, $0x1;
	s4 =	sadd.s32 s21, s2  }
0x9d: {  	[timem:s6], [sflag:s22] =	dma.local [hbm:s4], s20  }
0x9e: {  	_ =	swait.ge [sflag:s22], s20  }
0x9f: {  	s3 =	ssub.s32 $0x0, s20;
	[sflag:s22] =	ssyncset.done $0x0  }
0xa0: {  	[sflag:s22] =	ssyncadd.s32 s3;
	_ =	sdelay $0x1  }
0xa1: {  	s23 =	simm.s32 $0x1B8B  }
0xa2: {  	_ =	swait.ge [sflag:s23], $0x1  }
0xa3: {  	[sflag:s23] =	ssyncset.done $0x0  }
0xa4: {  	s25 =	simm.s32 $0x1B8E;
	s24 =	sld [smem:$0x3FFE];
	[sflag:s23] =	ssyncadd.s32 $0xFFFFFFFF  }
0xa5: {  	s26 =	simm.s32 $execute0_lowered;
	[smem:$0x3FD2] =	sst s25  }
0xa6: {  	s4 =	sshll.u32 s26, $0x1;
	_ =	strace $0x80000052;
	[dreg:$0x1] =	wrdreg $0xFFFFFFFF  }
0xa7: {  	s28 =	simm.s32 $_size_execute0_lowered;
	s2 =	sadd.s32 s2, s4;
	[dreg:$0x0] =	wrdreg $0x0  }
0xa8: {  	s4 =	sshll.u32 s28, $0x1;
	[dreg:$0x2] =	wrdreg s2  }
0xa9: {  	[dreg:$0x3] =	wrdreg s4  }
0xaa: {  	[dreg:$0x4] =	wrdreg $0xC0  }
0xab: {  	_ =	task [dreg:s6], $0x5FFFF  }
0xac: {  	[dreg:$0x1] =	wrdreg $0xFFFFFFFF  }
0xad: {  	[dreg:$0x0] =	wrdreg $0x60  }
0xae: {  	[dreg:$0x2] =	wrdreg s24  }
0xaf: {  	[dreg:$0x3] =	wrdreg $0x9  }
0xb0: {  	_ =	task.clear_ibuf [dreg:s6], $0x4FFFF;
	_ =	strace $0x90000052  }
0xb1: {  	s29 =	simm.s32 $0x9;
	_ =	strace $0x80000054  }
0xb2: {  	_ =	swait.ge [sflag:s29], $0x1  }
0xb3: {  	[sflag:s29] =	ssyncadd.s32 $0xFFFFFFFF  }
0xb4: {  	_ =	strace $0x90000054  }
0xb5: {  	_ =	sfence  }
0xb6: {  	s30 =	sld [smem:$0x0];
	_ =	sdelay $0x2  }
0xb7: {  	s31 =	sshll.u32 s1, $0xD;
	s1 =	sshrl.u32 s1, $0x2  }
0xb8: {  	s3 =	sand.u32 $0x4000, s31;
	s1 =	sadd.s32 s1, s30  }
0xb9: {  	s0 =	sor.u32 s3, s0;
	s1 =	sshll.u32 s1, $0x11  }
0xba: {  	s0 =	sor.u32 s1, s0  }
0xbb: {  	s0 =	sadd.s32 $0x8F2B, s0  }
0xbc: {  	[sflag:s0] =	ssyncadd.remote.s32 $0x1  }
0xbd: {  	_ =	sfence.sel $0xFFFF  }
0xbe: {  	[dreg:$0x0] =	wrdreg $0xFFFFFFFF;
	(pc) =	sbr.abs _section_cstart, $3  }
0xbf: {  	[dreg:$0x1] =	wrdreg $0xFFFFFFFF  }
0xc0: {  	_ =	task.clear_ibuf [dreg:s6], $0x2FFFF;
	_ =	strace $0x9FFFFFFF  }
0xc1: {  	(tm) =	ssettm $0x7FFFFFFF  }
tec
execute0_lowered:
.L_overlay_start_1:
0x0: {  	(tag) =	ssettag $0x1  }
0x1: {  	s1 =	srdreg.scid  }
0x2: {  	s0 =	stileid.u32;
	s4 =	rddreg [dreg:$0x0];
	s2 =	simm.s32 $0x0  }
0x3: {  	s9 =	simm.s32 $0x1;
	s3 =	sand.u32 $0x1, s1;
	s5 =	smul.u32 $0x30D40, s0  }
0x4: {  	s10 =	simm.s32 $0x0;
	[smem:$0x7FF] =	sst s2;
	s6 =	smul.u32 $0x186A0, s3  }
0x5: {  	s1 =	rddreg [dreg:$0x1];
	s7 =	ssub.s32 $0x2, s3;
	_ =	strace $0x80000053  }
0x6: {  	s3 =	sadd.s32 $0x262600, s4;
	s30 =	sshrl.u32 s7, $0x1;
	s5 =	sadd.s32 s6, s5  }
0x7: {  	s6 =	ssub.s32 s7, s30;
	s8 =	sshrl.u32 s5, $0x3;
	s5 =	sadd.s32 s5, s4  }
0x8: {  	s7 =	simm.s32 $0x2;
	s31 =	sadd.s32 s8, s4;
	s5 =	sadd.s32 $0x4E2A00, s5  }
0x9: {  	s4 =	smax.u32 s6, $0x1;
	s8 =	simm.s32 $0x7D0;
	s6 =	sadd.s32 $0x1871400, s31  }
.LBB2_1:
0xa: {  	s11 =	sadd.s32 $0x0, s6  }
0xb: {  	[tilespmem:s2], [sflag:$0x2] =	stream.linear.gather [hbm4b:s11+s2], $0x7D0, $0x38;
	[tilespmem:$0x4650] =	vst v63  }
0xc: {  	_ =	swait.ge [sflag:s7], $0x7D0  }
0xd: {  	[sflag:s7] =	ssyncset.done $0x0  }
0xe: {  	[sflag:s7] =	ssyncadd.s32 $0xFFFFF830  }
0xf: {  	[tilespmem:s8], [sflag:$0x1] =	stream.indirect.gather [hbm4b:s3+s8], $0x8, s2, s8, $0xb8;
	[tilespmem:$0x4650] =	vst v63  }
0x10: {  	_ =	swait.ge [sflag:s9], $0x3E80  }
0x11: {  	[sflag:s9] =	ssyncset.done $0x0  }
0x12: {  	[sflag:s9] =	ssyncadd.s32 $0xFFFFC180  }
0x13: {  	[hbm4b:s5+s2] =	stream.linear.scatter [tilespmem:s8], [sflag:$0x2], $0x3E80, $0x38;
	[tilespmem:$0x4650] =	vst v63  }
0x14: {  	s12 =	simm.s32 $0xFA;
	_ =	swait.ge [sflag:s7], $0x3E80  }
0x15: {  	s13 =	simm.s32 $0x1F4;
	s11 =	sadd.s32 $0x7D0, s5;
	[sflag:s7] =	ssyncset.done $0x0  }
.LBB2_2:
0x16: {  	s14 =	sadd.s32 s12, s6  }
0x17: {  	[sflag:s7] =	ssyncadd.s32 $0xFFFFC180;
	s12 =	smov.u32 s13;
	s15 =	sadd.s32 $0xFA, s13  }
0x18: {  	[tilespmem:s2], [sflag:$0x2] =	stream.linear.gather [hbm4b:s14+s2], $0x7D0, $0x38;
	[tilespmem:$0x4650] =	vst v63  }
0x19: {  	p0 =	sne.s32 s13, $0x2FDA;
	_ =	swait.ge [sflag:s7], $0x7D0  }
0x1a: {  	[sflag:s7] =	ssyncset.done $0x0  }
0x1b: {  	[sflag:s7] =	ssyncadd.s32 $0xFFFFF830  }
0x1c: {  	[tilespmem:s8], [sflag:$0x1] =	stream.indirect.gather [hbm4b:s3+s8], $0x8, s2, s8, $0xb8;
	[tilespmem:$0x4650] =	vst v63  }
0x1d: {  	_ =	swait.ge [sflag:s9], $0x3E80  }
.Ltmp0:
0x1e: {  	[sflag:s9] =	ssyncset.done $0x0;
	(pc) =	sbr.rel @p0 .LBB2_2-.Ltmp0, $4  }
0x1f: {  	[sflag:s9] =	ssyncadd.s32 $0xFFFFC180  }
0x20: {  	[hbm4b:s11+s2] =	stream.linear.scatter [tilespmem:s8], [sflag:$0x2], $0x3E80, $0x38;
	[tilespmem:$0x4650] =	vst v63  }
0x21: {  	_ =	swait.ge [sflag:s7], $0x3E80  }
0x22: {  	s13 =	smov.u32 s15;
	s11 =	sadd.s32 $0x7D0, s11;
	[sflag:s7] =	ssyncset.done $0x0  }
0x23: {  	s12 =	sadd.s32 s12, s6;
	[sflag:s7] =	ssyncadd.s32 $0xFFFFC180  }
0x24: {  	[tilespmem:s2], [sflag:$0x2] =	stream.linear.gather [hbm4b:s12+s2], $0x7D0, $0x38;
	[tilespmem:$0x4650] =	vst v63  }
0x25: {  	_ =	swait.ge [sflag:s7], $0x7D0  }
0x26: {  	[sflag:s7] =	ssyncset.done $0x0  }
0x27: {  	[sflag:s7] =	ssyncadd.s32 $0xFFFFF830  }
0x28: {  	[tilespmem:s8], [sflag:$0x1] =	stream.indirect.gather [hbm4b:s3+s8], $0x8, s2, s8, $0xb8;
	[tilespmem:$0x4650] =	vst v63  }
0x29: {  	s10 =	sadd.s32 $0x1, s10;
	_ =	swait.ge [sflag:s9], $0x3E80  }
0x2a: {  	p0 =	sne.s32 s10, s4;
	[sflag:s9] =	ssyncset.done $0x0  }
.Ltmp1:
0x2b: {  	[sflag:s9] =	ssyncadd.s32 $0xFFFFC180;
	(pc) =	sbr.rel @p0 .LBB2_1-.Ltmp1, $4  }
0x2c: {  	[hbm4b:s11+s2] =	stream.linear.scatter [tilespmem:s8], [sflag:$0x2], $0x3E80, $0x38;
	[tilespmem:$0x4650] =	vst v63  }
0x2d: {  	_ =	swait.ge [sflag:s7], $0x3E80  }
0x2e: {  	[sflag:s7] =	ssyncset.done $0x0  }
0x2f: {  	[sflag:s7] =	ssyncadd.s32 $0xFFFFC180  }
0x30: {  	_ =	sfence.sel $0x180000  }
0x31: {  	[bflag:$0x0] =	sbarrier.arrive $0xFFFF  }
0x32: {  	p0 =	sne.s32 s0, $0x0;
	_ =	strace $0x90000053  }
0x33: {  	s0 =	sadd.s32 @!p0 $0x100000, s1;
	[bflag:$0x2] =	sbarrier.arrive $0xFFFF  }
0x34: {  	[sflag:s0] =	ssyncadd.tile.s32 @!p0 $0x1;
	_ =	shalt  }
.Lfunc_end2:
_tile_overlayer_lowered:
.L_overlay_start_2:
0x35: {  	(tag) =	ssettag $0x2  }
0x36: {  	s0 =	rddreg [dreg:$0x0];
	s2 =	stileid.u32  }
0x37: {  	s1 =	rddreg [dreg:$0x1];
	p0 =	sne.s32 s2, $0x0  }
0x38: {  	s3 =	rddreg [dreg:$0x2];
	[bflag:$0x3] =	sbarrier.arrive $0xFFFF;
	s2 =	simm.s32 @!p0 $0x1C02  }
0x39: {  	[timem:s3], [sflag:s2] =	dma.local @!p0 [hbm:s0], s1  }
0x3a: {  	s0 =	simm.s32 @!p0 $0x2  }
0x3b: {  	_ =	swait.ge @!p0 [sflag:s0], s1  }
0x3c: {  	s1 =	ssub.s32 @!p0 $0x0, s1;
	[sflag:s0] =	ssyncset.done @!p0 $0x0  }
0x3d: {  	[sflag:s0] =	ssyncadd.s32 @!p0 s1  }
0x3e: {  	[bflag:$0x3] =	sbarrier.arrive $0xFFFF  }
0x3f: {  	_ =	shalt  }

// kernel: kernel.30.cloned.1.call-start
scs
__scs_entry_jumppad:
0x0: {  	(pc) =	sbr.rel $0x88, $3  }
0x1: {  	(tag) =	ssettag $0x0;
	lr =	simm.s32 $0x1  }
0x2: {  	[smem:$0x3F92] =	sst lr;
	_ =	strace $0xD0000000  }
0x3: {  	_ = 	snop  }
0x4: {  	_ = 	snop  }
0x5: {  	_ = 	snop  }
0x6: {  	_ = 	snop  }
0x7: {  	_ = 	snop  }
__scs_overlays_trampoline_lowered:
0x8: {  	[smem:$0x3FA1] =	sst s0  }
0x9: {  	[smem:$0x3FA2] =	sst s1  }
0xa: {  	[smem:$0x3FA3] =	sst s2  }
0xb: {  	[smem:$0x3FA4] =	sst s3  }
0xc: {  	[smem:$0x3FA5] =	sst s4  }
0xd: {  	[smem:$0x3FA6] =	sst s5  }
0xe: {  	[smem:$0x3FA7] =	sst s6  }
0xf: {  	[smem:$0x3FA8] =	sst s7  }
0x10: {  	[smem:$0x3FA9] =	sst s8  }
0x11: {  	[smem:$0x3FAA] =	sst s9;
	s0 =	simm.s32 @!p0 $0x0  }
0x12: {  	s1 =	sld [smem:$0x3F90];
	s0 =	simm.s32 @p0 $0x1  }
0x13: {  	[smem:$0x3FAB] =	sst s0;
	s0 =	simm.s32 @!p1 $0x0  }
0x14: {  	s2 =	sld [smem:$0x3F8F];
	s0 =	simm.s32 @p1 $0x1  }
0x15: {  	[smem:$0x3FAC] =	sst s0;
	s0 =	simm.s32 @!p2 $0x0  }
0x16: {  	s3 =	sld [smem:$0x3FDB];
	s0 =	simm.s32 @p2 $0x1  }
0x17: {  	s4 =	simm.s32 $0x1BF5;
	[smem:$0x3FAE] =	sst s0  }
0x18: {  	s0 =	sld [smem:$0x3F91];
	_ =	swait.ge [sflag:s4], $0x0  }
0x19: {  	s7 =	sld [smem:$0x3F92]  }
0x1a: {  	s8 =	sadd.s32 $0xFFFFE003, lr  }
0x1b: {  	s9 =	sadd.s32 $0xFFFFFEF7, lr;
	s5 =	simm.s32 $0xFFFFFFFF;
	p2 =	slt.u32 s8, $0xFFFFF086  }
0x1c: {  	p1 =	slt.u32 s9, $0xF7A;
	s5 =	simm.s32 @!p2 $0x0  }
0x1d: {  	s5 =	simm.s32 @p1 $0x1;
	p0 =	seq.s32 s7, s2  }
0x1e: {  	s7 =	smul.u32 @!p0 $0xF7A, s2;
	p2 =	seq.s32 @!p0 s5, $0x0  }
0x1f: {  	s9 =	smul.u32 $0xF7A, s1;
	s8 =	simm.s32 @!p0 $0x1BF5;
	p2 =	por !p2, p0  }
0x20: {  	[sflag:s8] =	ssyncset.s32 @!p0 $0xFFFFF086;
	s6 =	sadd.s32 @!p0 s3, s7;
	s7 =	simm.s32 @!p0 $0x108  }
0x21: {  	s3 =	sadd.s32 s3, s9;
	s6 =	sadd.s32 @!p0 $0x88, s6;
	s7 =	simm.s32 @p2 $0x1082  }
0x22: {  	[simem:s7], [sflag:s8] =	dma.local @!p0 [hbm:s6], $0xF7A  }
0x23: {  	s9 =	sor.u32 $0xD0000000, s2;
	s6 =	simm.s32 $0x108;
	_ =	swait.ge @!p0 [sflag:s8], $0x0  }
0x24: {  	s3 =	sadd.s32 $0x88, s3;
	s6 =	simm.s32 @!p1 $0x1082;
	[sflag:s4] =	ssyncset.s32 $0xFFFFF086  }
0x25: {  	[simem:s6], [sflag:s4] =	dma.local [hbm:s3], $0xF7A  }
0x26: {  	[smem:$0x3F92] =	sst s1;
	(tag) =	ssettag s2;
	_ =	strace s9  }
0x27: {  	s1 =	sld [smem:$0x3FA2]  }
0x28: {  	s2 =	sld [smem:$0x3FA3]  }
0x29: {  	s4 =	sld [smem:$0x3FA5]  }
0x2a: {  	p0 =	seq.s32 s5, $0x0;
	s5 =	sld [smem:$0x3FA6]  }
0x2b: {  	s6 =	sld [smem:$0x3FA7]  }
0x2c: {  	s7 =	sld [smem:$0x3FA8]  }
0x2d: {  	s3 =	simm.s32 $0x108;
	s8 =	sld [smem:$0x3FA9]  }
0x2e: {  	s3 =	simm.s32 @!p0 $0x1082;
	s9 =	sld [smem:$0x3FAA]  }
0x2f: {  	lr =	sadd.s32 s0, s3;
	s0 =	sld [smem:$0x3FA1]  }
0x30: {  	s3 =	sld [smem:$0x3FA4]  }
0x31: {  	[smem:$0x3FAD] =	sst s10  }
0x32: {  	s10 =	sld [smem:$0x3FAB];
	_ =	sdelay $0x3  }
0x33: {  	p0 =	seq.s32 s10, $0x1;
	s10 =	sld [smem:$0x3FAD];
	_ =	sdelay $0x3  }
0x34: {  	[smem:$0x3FAD] =	sst s10  }
0x35: {  	s10 =	sld [smem:$0x3FAC];
	_ =	sdelay $0x3  }
0x36: {  	p1 =	seq.s32 s10, $0x1;
	s10 =	sld [smem:$0x3FAD];
	_ =	sdelay $0x3  }
0x37: {  	[smem:$0x3FAD] =	sst s10  }
0x38: {  	s10 =	sld [smem:$0x3FAE]  }
0x39: {  	_ = 	snop;
	(pc) =	sbr.ind lr, $3  }
0x3a: {  	_ = 	snop  }
0x3b: {  	_ = 	snop  }
0x3c: {  	p2 =	seq.s32 s10, $0x1;
	s10 =	sld [smem:$0x3FAD]  }
0x3d: {  	_ =	shalt  }
0x3e: {  	_ =	shalt  }
0x3f: {  	_ =	shalt  }
0x40: {  	_ =	shalt  }
0x41: {  	_ =	shalt  }
0x42: {  	_ =	shalt  }
0x43: {  	_ =	shalt  }
0x44: {  	_ =	shalt  }
0x45: {  	_ =	shalt  }
0x46: {  	_ =	shalt  }
0x47: {  	_ =	shalt  }
0x48: {  	_ =	shalt  }
0x49: {  	_ =	shalt  }
0x4a: {  	_ =	shalt  }
0x4b: {  	_ =	shalt  }
0x4c: {  	_ =	shalt  }
0x4d: {  	_ =	shalt  }
0x4e: {  	_ =	shalt  }
0x4f: {  	_ =	shalt  }
0x50: {  	_ =	shalt  }
0x51: {  	_ =	shalt  }
0x52: {  	_ =	shalt  }
0x53: {  	_ =	shalt  }
0x54: {  	_ =	shalt  }
0x55: {  	_ =	shalt  }
0x56: {  	_ =	shalt  }
0x57: {  	_ =	shalt  }
0x58: {  	_ =	shalt  }
0x59: {  	_ =	shalt  }
0x5a: {  	_ =	shalt  }
0x5b: {  	_ =	shalt  }
0x5c: {  	_ =	shalt  }
0x5d: {  	_ =	shalt  }
0x5e: {  	_ =	shalt  }
0x5f: {  	_ =	shalt  }
0x60: {  	_ =	shalt  }
0x61: {  	_ =	shalt  }
0x62: {  	_ =	shalt  }
0x63: {  	_ =	shalt  }
0x64: {  	_ =	shalt  }
0x65: {  	_ =	shalt  }
0x66: {  	_ =	shalt  }
0x67: {  	_ =	shalt  }
0x68: {  	_ =	shalt  }
0x69: {  	_ =	shalt  }
0x6a: {  	_ =	shalt  }
0x6b: {  	_ =	shalt  }
0x6c: {  	_ =	shalt  }
0x6d: {  	_ =	shalt  }
0x6e: {  	_ =	shalt  }
0x6f: {  	_ =	shalt  }
0x70: {  	_ =	shalt  }
0x71: {  	_ =	shalt  }
0x72: {  	_ =	shalt  }
0x73: {  	_ =	shalt  }
0x74: {  	_ =	shalt  }
0x75: {  	_ =	shalt  }
0x76: {  	_ =	shalt  }
0x77: {  	_ =	shalt  }
0x78: {  	_ =	shalt  }
0x79: {  	_ =	shalt  }
0x7a: {  	_ =	shalt  }
0x7b: {  	_ =	shalt  }
0x7c: {  	_ =	shalt  }
0x7d: {  	_ =	shalt  }
0x7e: {  	_ =	shalt  }
0x7f: {  	_ =	shalt  }
0x80: {  	_ =	shalt  }
0x81: {  	_ =	shalt  }
0x82: {  	_ =	shalt  }
0x83: {  	_ =	shalt  }
0x84: {  	_ =	shalt  }
0x85: {  	_ =	shalt  }
0x86: {  	_ =	shalt  }
0x87: {  	_ =	shalt  }
.Lfunc_end0:
.L_simem_size_0:
called_computation.5_lowered:
.L_overlay_start_0:
0x88: {  	s2 =	sld [smem:$0x3FD9]  }
0x89: {  	s3 =	sld [smem:$0x3FFE];
	_ =	sdelay $0x1  }
0x8a: {  	s1 =	srdreg.scid  }
0x8b: {  	s0 =	sand.u32 $0x1, s1  }
0x8c: {  	s16 =	sshll.u32 s0, $0xA;
	s2 =	sadd.s32 s3, s2  }
0x8d: {  	s2 =	sadd.s32 s2, s16  }
0x8e: {  	[smem:$0x3FB9] =	sst s2  }
0x8f: {  	_ = 	snop  }
0x90: {  	(tm) =	ssettm $0x1  }
0x91: {  	s17 =	sld [smem:$0x3FFB];
	_ =	sdelay $0x3  }
0x92: {  	_ =	strace s17  }
0x93: {  	s2 =	sld [smem:$0x3FFC];
	_ =	sdelay $0x3  }
0x94: {  	_ =	strace s2  }
0x95: {  	s2 =	sld [smem:$0x3FFD];
	_ =	sdelay $0x3  }
0x96: {  	_ =	strace s2  }
0x97: {  	_ =	strace $0x8FFFFFFF  }
0x98: {  	s18 =	sld [smem:$0x3FDB];
	_ =	sdelay $0x1  }
0x99: {  	s19 =	simm.s32 $_scs_section_size  }
0x9a: {  	s4 =	simm.s32 $_size__tile_overlayer_lowered;
	s5 =	simm.s32 $_tile_overlayer_lowered  }
0x9b: {  	s22 =	simm.s32 $0x1BFF;
	s21 =	sshll.u32 s5, $0x1;
	s2 =	sadd.s32 s19, s18  }
0x9c: {  	s6 =	simm.s32 $0x0;
	s20 =	sshll.u32 s4, $0x1;
	s4 =	sadd.s32 s21, s2  }
0x9d: {  	[timem:s6], [sflag:s22] =	dma.local [hbm:s4], s20  }
0x9e: {  	_ =	swait.ge [sflag:s22], s20  }
0x9f: {  	s3 =	ssub.s32 $0x0, s20;
	[sflag:s22] =	ssyncset.done $0x0  }
0xa0: {  	[sflag:s22] =	ssyncadd.s32 s3;
	_ =	sdelay $0x1  }
0xa1: {  	s23 =	simm.s32 $0x1B8B  }
0xa2: {  	_ =	swait.ge [sflag:s23], $0x1  }
0xa3: {  	[sflag:s23] =	ssyncset.done $0x0  }
0xa4: {  	s25 =	simm.s32 $0x1B8E;
	s24 =	sld [smem:$0x3FFE];
	[sflag:s23] =	ssyncadd.s32 $0xFFFFFFFF  }
0xa5: {  	s26 =	simm.s32 $execute0_lowered;
	[smem:$0x3FD2] =	sst s25  }
0xa6: {  	s4 =	sshll.u32 s26, $0x1;
	_ =	strace $0x80000055;
	[dreg:$0x1] =	wrdreg $0xFFFFFFFF  }
0xa7: {  	s28 =	simm.s32 $_size_execute0_lowered;
	s2 =	sadd.s32 s2, s4;
	[dreg:$0x0] =	wrdreg $0x0  }
0xa8: {  	s4 =	sshll.u32 s28, $0x1;
	[dreg:$0x2] =	wrdreg s2  }
0xa9: {  	[dreg:$0x3] =	wrdreg s4  }
0xaa: {  	[dreg:$0x4] =	wrdreg $0xC0  }
0xab: {  	_ =	task [dreg:s6], $0x5FFFF  }
0xac: {  	[dreg:$0x1] =	wrdreg $0xFFFFFFFF  }
0xad: {  	[dreg:$0x0] =	wrdreg $0x60  }
0xae: {  	[dreg:$0x2] =	wrdreg s24  }
0xaf: {  	[dreg:$0x3] =	wrdreg $0x46500  }
0xb0: {  	[dreg:$0x4] =	wrdreg $0x9  }
0xb1: {  	_ =	task.clear_ibuf [dreg:s6], $0x5FFFF;
	_ =	strace $0x90000055  }
0xb2: {  	s29 =	simm.s32 $0x9;
	_ =	strace $0x80000057  }
0xb3: {  	_ =	swait.ge [sflag:s29], $0x1  }
0xb4: {  	[sflag:s29] =	ssyncadd.s32 $0xFFFFFFFF  }
0xb5: {  	_ =	strace $0x90000057  }
0xb6: {  	_ =	sfence  }
0xb7: {  	s30 =	sld [smem:$0x0];
	_ =	sdelay $0x2  }
0xb8: {  	s31 =	sshll.u32 s1, $0xD;
	s1 =	sshrl.u32 s1, $0x2  }
0xb9: {  	s3 =	sand.u32 $0x4000, s31;
	s1 =	sadd.s32 s1, s30  }
0xba: {  	s0 =	sor.u32 s3, s0;
	s1 =	sshll.u32 s1, $0x11  }
0xbb: {  	s0 =	sor.u32 s1, s0  }
0xbc: {  	s0 =	sadd.s32 $0x8F2B, s0  }
0xbd: {  	[sflag:s0] =	ssyncadd.remote.s32 $0x1  }
0xbe: {  	_ =	sfence.sel $0xFFFF  }
0xbf: {  	[dreg:$0x0] =	wrdreg $0xFFFFFFFF;
	(pc) =	sbr.abs _section_cstart, $3  }
0xc0: {  	[dreg:$0x1] =	wrdreg $0xFFFFFFFF  }
0xc1: {  	_ =	task.clear_ibuf [dreg:s6], $0x2FFFF;
	_ =	strace $0x9FFFFFFF  }
0xc2: {  	(tm) =	ssettm $0x7FFFFFFF  }
0xc3: {  	_ =	shalt  }
tec
execute0_lowered:
.L_overlay_start_1:
0x0: {  	(tag) =	ssettag $0x1  }
0x1: {  	s1 =	srdreg.scid;
	s4 =	rddreg [dreg:$0x0]  }
0x2: {  	s0 =	stileid.u32;
	s2 =	rddreg [dreg:$0x1]  }
0x3: {  	s3 =	simm.s32 $0x0;
	s13 =	simm.s32 $0x0;
	s6 =	smul.u32 $0x186A0, s0  }
0x4: {  	s5 =	sand.u32 $0x1, s1;
	s1 =	rddreg [dreg:$0x2];
	s8 =	smul.u32 $0x6400, s0  }
0x5: {  	[smem:$0x7FF] =	sst s3;
	s31 =	sshll.u32 s0, $0x6;
	s7 =	smul.u32 $0xC350, s5  }
0x6: {  	s28 =	smul.u32 $0x64000, s5;
	_ =	strace $0x80000056;
	s5 =	ssub.s32 $0x2, s5  }
0x7: {  	s30 =	sshrl.u32 s8, $0x3;
	s11 =	sshrl.u32 s5, $0x1;
	s12 =	sadd.s32 s8, s2  }
0x8: {  	s6 =	sadd.s32 s7, s6;
	s29 =	sadd.s32 s8, s28;
	s7 =	sadd.s32 s30, s4  }
0x9: {  	s11 =	ssub.s32 s5, s11;
	s9 =	sadd.s32 s6, s4;
	s6 =	sshrl.u32 s6, $0x3  }
0xa: {  	s5 =	sor.u32 $0x1C01, s31;
	s10 =	sadd.s32 s6, s4;
	s6 =	sshrl.u32 s29, $0x3  }
0xb: {  	s8 =	sadd.s32 $0x7400, s9;
	s6 =	sadd.s32 s6, s4;
	s4 =	sadd.s32 $0x255E00, s7  }
0xc: {  	s7 =	smax.u32 s11, $0x1;
	s9 =	sadd.s32 $0x3E9C00, s10;
	s10 =	sshrl.u32 s12, $0x3  }
0xd: {  	s11 =	simm.s32 $0x1;
	s12 =	simm.s32 $0x7D0;
	s6 =	sadd.s32 $0x262600, s6  }
.LBB2_1:
0xe: {  	[spmem:s10], [sflag:s5] =	dma.local [hbm:s4], $0xC80  }
0xf: {  	_ =	swait.ge [sflag:s11], $0xC80  }
0x10: {  	[sflag:s11] =	ssyncset.done $0x0  }
0x11: {  	[sflag:s11] =	ssyncadd.s32 $0xFFFFF380  }
0x12: {  	s14 =	sadd.s32 $0x0, s9;
	[bflag:$0x0] =	sbarrier.arrive $0xFFFF  }
0x13: {  	[tilespmem:s3], [sflag:$0x1] =	stream.linear.gather [hbm4b:s14+s3], $0x7D0, $0x38;
	[tilespmem:$0xAA50] =	vst v63  }
0x14: {  	_ =	swait.ge [sflag:s11], $0x7D0  }
0x15: {  	[sflag:s11] =	ssyncset.done $0x0  }
0x16: {  	[sflag:s11] =	ssyncadd.s32 $0xFFFFF830  }
0x17: {  	[tilespmem:s12], [sflag:$0x1] =	stream.linear.gather [hbm4b:s8+s3], $0x3E80, $0x38;
	[tilespmem:$0xAA50] =	vst v63  }
0x18: {  	_ =	swait.ge [sflag:s11], $0x3E80  }
0x19: {  	[sflag:s11] =	ssyncset.done $0x0  }
0x1a: {  	[sflag:s11] =	ssyncadd.s32 $0xFFFFC180  }
0x1b: {  	[spmem:s2] =	stream.indirect.scatter.add.f32 [tilespmem:s12], [sflag:$0x1], $0x8, s3, s12, $0xb8;
	[tilespmem:$0xAA50] =	vst v63  }
0x1c: {  	s15 =	simm.s32 $0xFA;
	_ =	swait.ge [sflag:s11], $0x3E80  }
0x1d: {  	s16 =	simm.s32 $0x1F4;
	s14 =	sadd.s32 $0x7D0, s8;
	[sflag:s11] =	ssyncset.done $0x0  }
.LBB2_2:
0x1e: {  	s17 =	sadd.s32 s15, s9  }
0x1f: {  	[sflag:s11] =	ssyncadd.s32 $0xFFFFC180;
	s15 =	smov.u32 s16;
	s18 =	sadd.s32 $0xFA, s16  }
0x20: {  	[tilespmem:s3], [sflag:$0x1] =	stream.linear.gather [hbm4b:s17+s3], $0x7D0, $0x38;
	[tilespmem:$0xAA50] =	vst v63  }
0x21: {  	p0 =	sne.s32 s16, $0x1770;
	_ =	swait.ge [sflag:s11], $0x7D0  }
0x22: {  	[sflag:s11] =	ssyncset.done $0x0  }
0x23: {  	[sflag:s11] =	ssyncadd.s32 $0xFFFFF830  }
0x24: {  	[tilespmem:s12], [sflag:$0x1] =	stream.linear.gather [hbm4b:s14+s3], $0x3E80, $0x38;
	[tilespmem:$0xAA50] =	vst v63  }
0x25: {  	_ =	swait.ge [sflag:s11], $0x3E80  }
.Ltmp0:
0x26: {  	[sflag:s11] =	ssyncset.done $0x0;
	(pc) =	sbr.rel @p0 .LBB2_2-.Ltmp0, $4  }
0x27: {  	[sflag:s11] =	ssyncadd.s32 $0xFFFFC180  }
0x28: {  	[spmem:s2] =	stream.indirect.scatter.add.f32 [tilespmem:s12], [sflag:$0x1], $0x8, s3, s12, $0xb8;
	[tilespmem:$0xAA50] =	vst v63  }
0x29: {  	_ =	swait.ge [sflag:s11], $0x3E80  }
0x2a: {  	s16 =	smov.u32 s18;
	s14 =	sadd.s32 $0x7D0, s14;
	[sflag:s11] =	ssyncset.done $0x0  }
0x2b: {  	s15 =	sadd.s32 s15, s9;
	[sflag:s11] =	ssyncadd.s32 $0xFFFFC180  }
0x2c: {  	[tilespmem:s3], [sflag:$0x1] =	stream.linear.gather [hbm4b:s15+s3], $0x7D0, $0x38;
	[tilespmem:$0xAA50] =	vst v63  }
0x2d: {  	_ =	swait.ge [sflag:s11], $0x7D0  }
0x2e: {  	[sflag:s11] =	ssyncset.done $0x0  }
0x2f: {  	[sflag:s11] =	ssyncadd.s32 $0xFFFFF830  }
0x30: {  	[tilespmem:s12], [sflag:$0x1] =	stream.linear.gather [hbm4b:s14+s3], $0x3E80, $0x38;
	[tilespmem:$0xAA50] =	vst v63  }
0x31: {  	_ =	swait.ge [sflag:s11], $0x3E80  }
0x32: {  	[sflag:s11] =	ssyncset.done $0x0  }
0x33: {  	[sflag:s11] =	ssyncadd.s32 $0xFFFFC180  }
0x34: {  	[spmem:s2] =	stream.indirect.scatter.add.f32 [tilespmem:s12], [sflag:$0x1], $0x8, s3, s12, $0xb8;
	[tilespmem:$0xAA50] =	vst v63  }
0x35: {  	_ =	swait.ge [sflag:s11], $0x3E80  }
0x36: {  	s13 =	sadd.s32 $0x1, s13;
	[sflag:s11] =	ssyncset.done $0x0  }
0x37: {  	p0 =	sne.s32 s13, s7;
	[sflag:s11] =	ssyncadd.s32 $0xFFFFC180  }
.Ltmp1:
0x38: {  	[bflag:$0x0] =	sbarrier.arrive $0xFFFF;
	(pc) =	sbr.rel @p0 .LBB2_1-.Ltmp1, $4  }
0x39: {  	[hbm:s6], [sflag:s5] =	dma.local [spmem:s10], $0xC80  }
0x3a: {  	_ =	swait.ge [sflag:s11], $0xC80  }
0x3b: {  	[sflag:s11] =	ssyncset.done $0x0  }
0x3c: {  	[sflag:s11] =	ssyncadd.s32 $0xFFFFF380  }
0x3d: {  	_ =	sfence.sel $0x180000  }
0x3e: {  	[bflag:$0x0] =	sbarrier.arrive $0xFFFF  }
0x3f: {  	p0 =	sne.s32 s0, $0x0;
	_ =	strace $0x90000056  }
0x40: {  	s0 =	sadd.s32 @!p0 $0x100000, s1;
	[bflag:$0x2] =	sbarrier.arrive $0xFFFF  }
0x41: {  	[sflag:s0] =	ssyncadd.tile.s32 @!p0 $0x1;
	_ =	shalt  }
.Lfunc_end2:
_tile_overlayer_lowered:
.L_overlay_start_2:
0x42: {  	(tag) =	ssettag $0x2  }
0x43: {  	s0 =	rddreg [dreg:$0x0];
	s2 =	stileid.u32  }
0x44: {  	s1 =	rddreg [dreg:$0x1];
	p0 =	sne.s32 s2, $0x0  }
0x45: {  	s3 =	rddreg [dreg:$0x2];
	[bflag:$0x3] =	sbarrier.arrive $0xFFFF;
	s2 =	simm.s32 @!p0 $0x1C01  }
0x46: {  	[timem:s3], [sflag:s2] =	dma.local @!p0 [hbm:s0], s1  }
0x47: {  	s0 =	simm.s32 @!p0 $0x1  }
0x48: {  	_ =	swait.ge @!p0 [sflag:s0], s1  }
0x49: {  	s1 =	ssub.s32 @!p0 $0x0, s1;
	[sflag:s0] =	ssyncset.done @!p0 $0x0  }
0x4a: {  	[sflag:s0] =	ssyncadd.s32 @!p0 s1  }
0x4b: {  	[bflag:$0x3] =	sbarrier.arrive $0xFFFF  }
0x4c: {  	_ =	shalt  }

</sc_bundles>
